<compile_context>
chip_gen: v7x
topology: tpu7x:2x2x1
jax: 0.10.2.dev20260603
libtpu: 0.0.44.dev20260713+nightly
codegen_flags: <defaults>
</compile_context>

<pallas_src>
import jax
import jax.numpy as jnp
from jax import lax
from jax.experimental import pallas as pl
from jax.experimental.pallas import tpu as pltpu
from jax.experimental.pallas import tpu_sc as plsc

N = 2
C = 4
W = 128
R = 16384
NCORES = 2
NSUB = 16
NW = NCORES * NSUB
R_SC = 8192
RSPAN = R_SC // NSUB
RCHUNK = 64
NCHUNK = RSPAN // RCHUNK
TC_RB = 1024
NB_TC = (R - R_SC) // TC_RB
LANES = 16
SMOOTH = 1e-5


def _sc_body(preds_hbm, targs_hbm, out_hbm,
             p00, p01, p02, p03, t0b, p10, p11, p12, p13, t1b,
             tp_acc, cnt_acc, obuf, sem0, sem1):
    cid = lax.axis_index("c")
    sid = lax.axis_index("s")
    wid = cid * NSUB + sid
    n = wid // NSUB
    base = (wid % NSUB) * RSPAN

    bufs = ((p00, p01, p02, p03, t0b), (p10, p11, p12, p13, t1b))
    sems = (sem0, sem1)

    def start(k, b):
        off = (base + k * RCHUNK) * W
        ds = []
        for c in range(C):
            ds.append(pltpu.async_copy(
                preds_hbm.at[pl.ds((n * C + c) * R * W + off, RCHUNK * W)],
                bufs[b][c], sems[b]))
        ds.append(pltpu.async_copy(
            targs_hbm.at[pl.ds(n * R * W + off, RCHUNK * W)],
            bufs[b][C], sems[b]))
        return ds

    def drain(b):
        for c in range(C):
            pltpu.make_async_copy(
                preds_hbm.at[pl.ds(0, RCHUNK * W)], bufs[b][c],
                sems[b]).wait()
        pltpu.make_async_copy(
            targs_hbm.at[pl.ds(0, RCHUNK * W)], bufs[b][C], sems[b]).wait()

    zero = jnp.zeros((LANES,), jnp.float32)
    ones = jnp.ones((LANES,), jnp.float32)
    lane = lax.iota(jnp.int32, LANES)
    for c in range(C):
        tp_acc[pl.ds(c * LANES, LANES)] = zero
        cnt_acc[pl.ds(c * LANES, LANES)] = zero

    def compute(b, accs):
        pb0, pb1, pb2, pb3, tbuf = bufs[b]

        def body(o, a, pb0=pb0, pb1=pb1, pb2=pb2, pb3=pb3, tbuf=tbuf):
            (s0, s1, s2, s3) = a
            x0 = pb0[pl.ds(o, LANES)]
            x1 = pb1[pl.ds(o, LANES)]
            x2 = pb2[pl.ds(o, LANES)]
            x3 = pb3[pl.ds(o, LANES)]
            t = tbuf[pl.ds(o, LANES)]
            e0 = jnp.exp(x0)
            e1 = jnp.exp(x1)
            e2 = jnp.exp(x2)
            e3 = jnp.exp(x3)
            rcp = 1.0 / ((e0 + e1) + (e2 + e3))
            q0 = e0 * rcp
            q1 = e1 * rcp
            q2 = e2 * rcp
            q3 = e3 * rcp
            qt = jnp.where(t == 0, q0,
                           jnp.where(t == 1, q1,
                                     jnp.where(t == 2, q2, q3)))
            idx = lax.shift_left(t, 4) + lane
            plsc.addupdate_scatter(tp_acc, [idx], qt)
            plsc.addupdate_scatter(cnt_acc, [idx], ones)
            return (s0 + q0, s1 + q1, s2 + q2, s3 + q3)

        return plsc.parallel_loop(0, RCHUNK * W, LANES, unroll=4,
                                  carry=accs)(body)

    start(0, 0)

    def pair(j, accs):
        k = 2 * j
        drain(0)
        start(k + 1, 1)
        accs = compute(0, accs)
        drain(1)

        @pl.when(k + 2 < NCHUNK)
        def _():
            start(k + 2, 0)

        return compute(1, accs)

    accs = lax.fori_loop(0, NCHUNK // 2, pair, (zero,) * 4)

    for c in range(C):
        obuf[0, pl.ds(c * LANES, LANES)] = accs[c]
        obuf[1, pl.ds(c * LANES, LANES)] = tp_acc[pl.ds(c * LANES, LANES)]
        obuf[2, pl.ds(c * LANES, LANES)] = cnt_acc[pl.ds(c * LANES, LANES)]
    pltpu.sync_copy(obuf, out_hbm.at[wid])


_sc_call = pl.kernel(
    _sc_body,
    out_type=jax.ShapeDtypeStruct((NW, 3, C * LANES), jnp.float32),
    mesh=plsc.VectorSubcoreMesh(core_axis_name="c", subcore_axis_name="s",
                                num_cores=NCORES, num_subcores=NSUB),
    compiler_params=pltpu.CompilerParams(use_tc_tiling_on_sc=False,
                                         needs_layout_passes=False),
    scratch_types=(
        [pltpu.VMEM((RCHUNK * W,), jnp.float32)] * 4
        + [pltpu.VMEM((RCHUNK * W,), jnp.int32)]
        + [pltpu.VMEM((RCHUNK * W,), jnp.float32)] * 4
        + [pltpu.VMEM((RCHUNK * W,), jnp.int32)]
        + [pltpu.VMEM((C * LANES,), jnp.float32),
           pltpu.VMEM((C * LANES,), jnp.float32)]
        + [pltpu.VMEM((3, C * LANES), jnp.float32),
           pltpu.SemaphoreType.DMA,
           pltpu.SemaphoreType.DMA]
    ),
)


def _tc_body(pref, tref, o_ref):
    first = jnp.logical_and(pl.program_id(0) == 0, pl.program_id(1) == 0)

    @pl.when(first)
    def _():
        for r in range(3):
            for c in range(C):
                o_ref[r, c] = jnp.float32(0.0)

    x = pref[...]
    t = tref[0]
    e = jnp.exp(x)
    rcp = 1.0 / jnp.sum(e, axis=0)
    for c in range(C):
        qc = e[c] * rcp
        mc = t == c
        o_ref[0, c] += jnp.sum(qc)
        o_ref[1, c] += jnp.sum(jnp.where(mc, qc, 0.0))
        o_ref[2, c] += jnp.sum(mc.astype(jnp.float32))


_tc_call = pl.pallas_call(
    _tc_body,
    grid=(N, NB_TC),
    in_specs=[
        pl.BlockSpec((C, TC_RB, W), lambda n, i: (n, R_SC // TC_RB + i, 0)),
        pl.BlockSpec((1, TC_RB, W), lambda n, i: (n, R_SC // TC_RB + i, 0)),
    ],
    out_specs=pl.BlockSpec((3, C), lambda n, i: (0, 0),
                           memory_space=pltpu.SMEM),
    out_shape=jax.ShapeDtypeStruct((3, C), jnp.float32),
)


def _fin_body(part_ref, tc_ref, o_ref):
    x = part_ref[...]
    tot = jnp.sum(x, axis=0)
    loss = jnp.float32(0.0)
    for c in range(C):
        s_c = jnp.sum(tot[0:1, c * LANES:(c + 1) * LANES]) + tc_ref[0, c]
        tp_c = jnp.sum(tot[1:2, c * LANES:(c + 1) * LANES]) + tc_ref[1, c]
        cnt_c = jnp.sum(tot[2:3, c * LANES:(c + 1) * LANES]) + tc_ref[2, c]
        fp = s_c - tp_c
        fn = cnt_c - tp_c
        alpha = jnp.clip(fp / (fp + fn + SMOOTH), 0.2, 0.8)
        beta = 1.0 - alpha
        den = tp_c + alpha * fp + beta * fn
        dice = tp_c / (den + SMOOTH)
        loss = loss + (1.0 - dice)
    o_ref[0, 0] = loss / C


_fin_call = pl.pallas_call(
    _fin_body,
    in_specs=[pl.BlockSpec(memory_space=pltpu.VMEM),
              pl.BlockSpec(memory_space=pltpu.SMEM)],
    out_shape=jax.ShapeDtypeStruct((1, 1), jnp.float32),
    out_specs=pl.BlockSpec(memory_space=pltpu.SMEM),
)


def kernel(preds, targets):
    targs_i32 = targets.astype(jnp.int32)
    preds2 = preds.reshape(N * C * R * W)
    targs2 = targs_i32.reshape(N * R * W)
    preds3 = preds.reshape(N * C, R, W)
    targs3 = targs_i32.reshape(N, R, W)
    part_sc = _sc_call(preds2, targs2)
    part_tc = _tc_call(preds3, targs3)
    loss = _fin_call(part_sc, part_tc)
    return loss.reshape(())

# --- scband reference (transcript-rebuilt; emitter-appended) ---
"""Pipeline reference for scband-dice-loss-69647189672242 (READ-ONLY COPY).

The authoritative reference and input builder live on the scoring server;
editing this copy changes nothing except your own understanding.
"""

import jax, jax.numpy as jnp
import numpy as np

ALPHA = 0.5
BETA = 0.5
SIZE_AVERAGE = True
REDUCE = True

def setup_inputs(seed: int = 0) -> dict:
    key = jax.random.key(seed)
    k1, k2 = jax.random.split(key)
    preds = jax.random.normal(k1, (2, 4, 128, 128, 128), dtype=jnp.float32)
    targets = jax.random.randint(k2, (2, 128, 128, 128), 0, 4, dtype=jnp.int64)
    return {"preds": preds, "targets": targets}

def reference(preds, targets):
    N = preds.shape[0]
    C = preds.shape[1]
    preds2 = jnp.transpose(preds, (0, 2, 3, 4, 1)).reshape(-1, C)
    t = targets.reshape(-1)
    P = jax.nn.softmax(preds2, axis=1)
    smooth = jnp.full((C,), 1e-05, dtype=jnp.float32)
    rows = jnp.arange(preds2.shape[0])
    class_mask = jnp.zeros(preds2.shape, dtype=preds2.dtype).at[rows, t].set(1.0)
    ones = jnp.ones(preds2.shape, dtype=preds2.dtype)
    P_ = ones - P
    class_mask_ = ones - class_mask
    TP = P * class_mask
    FP = P * class_mask_
    FN = P_ * class_mask
    alpha = FP.sum(axis=0) / (FP.sum(axis=0) + FN.sum(axis=0) + smooth)
    alpha = jnp.clip(alpha, 0.2, 0.8)
    beta = 1.0 - alpha
    num = jnp.sum(TP, axis=0).astype(jnp.float32)
    den = num + alpha * jnp.sum(FP, axis=0).astype(jnp.float32) + beta * jnp.sum(FN, axis=0).astype(jnp.float32)
    dice = num / (den + smooth)
    if not REDUCE:
        return jnp.ones((C,), dtype=dice.dtype) - dice
    loss = 1.0 - dice
    loss = loss.sum()
    if SIZE_AVERAGE:
        loss = loss / C
    return loss

if __name__ == "__main__":
    import jax
    _d = setup_inputs()
    print(jax.jit(kernel)(*tuple(_d.values())))

</pallas_src>

<mosaic_0001>
#map = affine_map<(d0, d1) -> (0)>
#map1 = affine_map<(d0, d1) -> (0, 0, 0)>
module attributes {stable_mosaic.version = 14 : i64} {
  func.func @_sc_body(%arg0: i32, %arg1: i32, %arg2: memref<16777216xf32, #tpu.memory_space<hbm>>, %arg3: memref<4194304xi32, #tpu.memory_space<hbm>>, %arg4: memref<32x3x64xf32, #tpu.memory_space<hbm>>, %arg5: memref<8192xf32, #tpu.memory_space<vmem>>, %arg6: memref<8192xf32, #tpu.memory_space<vmem>>, %arg7: memref<8192xf32, #tpu.memory_space<vmem>>, %arg8: memref<8192xf32, #tpu.memory_space<vmem>>, %arg9: memref<8192xi32, #tpu.memory_space<vmem>>, %arg10: memref<8192xf32, #tpu.memory_space<vmem>>, %arg11: memref<8192xf32, #tpu.memory_space<vmem>>, %arg12: memref<8192xf32, #tpu.memory_space<vmem>>, %arg13: memref<8192xf32, #tpu.memory_space<vmem>>, %arg14: memref<8192xi32, #tpu.memory_space<vmem>>, %arg15: memref<64xf32, #tpu.memory_space<vmem>>, %arg16: memref<64xf32, #tpu.memory_space<vmem>>, %arg17: memref<3x64xf32, #tpu.memory_space<vmem>>, %arg18: memref<!tpu.dma_semaphore, #tpu.memory_space<semaphore_mem>>, %arg19: memref<!tpu.dma_semaphore, #tpu.memory_space<semaphore_mem>>) attributes {dimension_semantics = [#tpu.dimension_semantics<core_parallel>, #tpu.dimension_semantics<subcore_parallel>], iteration_bounds = array<i64: 2, 16>, scalar_prefetch = 0 : i64, scratch_operands = 15 : i64, tpu.core_type = #tpu.core_type<sc_vector_subcore>, window_params = [{transform_indices = #map}, {transform_indices = #map}, {transform_indices = #map1}]} {
    %mul3A = arith.constant 16 : i32
    %mul3A_0 = arith.muli %arg0, %mul3A : i32
    %add3A = arith.addi %mul3A_0, %arg1 : i32
    %jit3A = arith.constant 16 : i32
    %div3A = arith.divsi %add3A, %jit3A : i32
    %sign3A = arith.constant 0 : i32
    %sign3A_1 = arith.cmpi sgt, %add3A, %sign3A : i32
    %sign3A_2 = arith.extui %sign3A_1 : i1 to i32
    %sign3A_3 = arith.constant 0 : i32
    %sign3A_4 = arith.cmpi slt, %add3A, %sign3A_3 : i32
    %sign3A_5 = arith.extui %sign3A_4 : i1 to i32
    %sign3A_6 = arith.subi %sign3A_2, %sign3A_5 : i32
    %sign3A_7 = arith.constant 0 : i32
    %sign3A_8 = arith.cmpi sgt, %jit3A, %sign3A_7 : i32
    %sign3A_9 = arith.extui %sign3A_8 : i1 to i32
    %sign3A_10 = arith.constant 0 : i32
    %sign3A_11 = arith.cmpi slt, %jit3A, %sign3A_10 : i32
    %sign3A_12 = arith.extui %sign3A_11 : i1 to i32
    %sign3A_13 = arith.subi %sign3A_9, %sign3A_12 : i32
    %ne3A = arith.cmpi ne, %sign3A_6, %sign3A_13 : i32
    %rem3A = arith.remsi %add3A, %jit3A : i32
    %ne3A_14 = arith.constant 0 : i32
    %ne3A_15 = arith.cmpi ne, %rem3A, %ne3A_14 : i32
    %and3A = arith.andi %ne3A, %ne3A_15 : i1
    %sub3A = arith.constant 1 : i32
    %sub3A_16 = arith.subi %div3A, %sub3A : i32
    %select_n3A = arith.select %and3A, %sub3A_16, %div3A : i32
    %jit3A_17 = arith.constant 16 : i32
    %eq3A = arith.constant 0 : i32
    %eq3A_18 = arith.cmpi eq, %jit3A_17, %eq3A : i32
    %jit3A_19 = arith.constant 1 : i32
    %select_n3A_20 = arith.select %eq3A_18, %jit3A_19, %jit3A_17 : i32
    %rem3A_21 = arith.remsi %add3A, %select_n3A_20 : i32
    %ne3A_22 = arith.constant 0 : i32
    %ne3A_23 = arith.cmpi ne, %rem3A_21, %ne3A_22 : i32
    %lt3A = arith.constant 0 : i32
    %lt3A_24 = arith.cmpi slt, %rem3A_21, %lt3A : i32
    %lt3A_25 = arith.constant 0 : i32
    %lt3A_26 = arith.cmpi slt, %select_n3A_20, %lt3A_25 : i32
    %ne3A_27 = arith.xori %lt3A_24, %lt3A_26 : i1
    %and3A_28 = arith.andi %ne3A_27, %ne3A_23 : i1
    %add3A_29 = arith.addi %rem3A_21, %select_n3A_20 : i32
    %select_n3A_30 = arith.select %and3A_28, %add3A_29, %rem3A_21 : i32
    %mul3A_31 = arith.constant 512 : i32
    %mul3A_32 = arith.muli %select_n3A_30, %mul3A_31 : i32
    %broadcast_in_dim3A = arith.constant 0.000000e+00 : f32
    %broadcast_in_dim3A_33 = vector.broadcast %broadcast_in_dim3A : f32 to vector<16xf32>
    %broadcast_in_dim3A_34 = arith.constant 1.000000e+00 : f32
    %broadcast_in_dim3A_35 = vector.broadcast %broadcast_in_dim3A_34 : f32 to vector<16xf32>
    %iota3A = tpu.iota {dimensions = array<i32: 0>} : vector<16xi32>
    %swap3A = arith.constant 0 : index
    %swap3A_36 = tpu.vector_load %arg15[%swap3A] {strides = array<i32>} : memref<64xf32, #tpu.memory_space<vmem>>, vector<16xf32>,
    tpu.vector_store %arg15[%swap3A], %broadcast_in_dim3A_33 {strides = array<i32>} : memref<64xf32, #tpu.memory_space<vmem>>, vector<16xf32>,
    %swap3A_37 = arith.constant 0 : index
    %swap3A_38 = tpu.vector_load %arg16[%swap3A_37] {strides = array<i32>} : memref<64xf32, #tpu.memory_space<vmem>>, vector<16xf32>,
    tpu.vector_store %arg16[%swap3A_37], %broadcast_in_dim3A_33 {strides = array<i32>} : memref<64xf32, #tpu.memory_space<vmem>>, vector<16xf32>,
    %swap3A_39 = arith.constant 16 : index
    %swap3A_40 = tpu.vector_load %arg15[%swap3A_39] {strides = array<i32>} : memref<64xf32, #tpu.memory_space<vmem>>, vector<16xf32>,
    tpu.vector_store %arg15[%swap3A_39], %broadcast_in_dim3A_33 {strides = array<i32>} : memref<64xf32, #tpu.memory_space<vmem>>, vector<16xf32>,
    %swap3A_41 = arith.constant 16 : index
    %swap3A_42 = tpu.vector_load %arg16[%swap3A_41] {strides = array<i32>} : memref<64xf32, #tpu.memory_space<vmem>>, vector<16xf32>,
    tpu.vector_store %arg16[%swap3A_41], %broadcast_in_dim3A_33 {strides = array<i32>} : memref<64xf32, #tpu.memory_space<vmem>>, vector<16xf32>,
    %swap3A_43 = arith.constant 32 : index
    %swap3A_44 = tpu.vector_load %arg15[%swap3A_43] {strides = array<i32>} : memref<64xf32, #tpu.memory_space<vmem>>, vector<16xf32>,
    tpu.vector_store %arg15[%swap3A_43], %broadcast_in_dim3A_33 {strides = array<i32>} : memref<64xf32, #tpu.memory_space<vmem>>, vector<16xf32>,
    %swap3A_45 = arith.constant 32 : index
    %swap3A_46 = tpu.vector_load %arg16[%swap3A_45] {strides = array<i32>} : memref<64xf32, #tpu.memory_space<vmem>>, vector<16xf32>,
    tpu.vector_store %arg16[%swap3A_45], %broadcast_in_dim3A_33 {strides = array<i32>} : memref<64xf32, #tpu.memory_space<vmem>>, vector<16xf32>,
    %swap3A_47 = arith.constant 48 : index
    %swap3A_48 = tpu.vector_load %arg15[%swap3A_47] {strides = array<i32>} : memref<64xf32, #tpu.memory_space<vmem>>, vector<16xf32>,
    tpu.vector_store %arg15[%swap3A_47], %broadcast_in_dim3A_33 {strides = array<i32>} : memref<64xf32, #tpu.memory_space<vmem>>, vector<16xf32>,
    %swap3A_49 = arith.constant 48 : index
    %swap3A_50 = tpu.vector_load %arg16[%swap3A_49] {strides = array<i32>} : memref<64xf32, #tpu.memory_space<vmem>>, vector<16xf32>,
    tpu.vector_store %arg16[%swap3A_49], %broadcast_in_dim3A_33 {strides = array<i32>} : memref<64xf32, #tpu.memory_space<vmem>>, vector<16xf32>,
    %add3A_51 = arith.constant 0 : i32
    %add3A_52 = arith.addi %mul3A_32, %add3A_51 : i32
    %mul3A_53 = arith.constant 128 : i32
    %mul3A_54 = arith.muli %add3A_52, %mul3A_53 : i32
    %mul3A_55 = arith.constant 4 : i32
    %mul3A_56 = arith.muli %select_n3A, %mul3A_55 : i32
    %add3A_57 = arith.constant 0 : i32
    %add3A_58 = arith.addi %mul3A_56, %add3A_57 : i32
    %mul3A_59 = arith.constant 16384 : i32
    %mul3A_60 = arith.muli %add3A_58, %mul3A_59 : i32
    %mul3A_61 = arith.constant 128 : i32
    %mul3A_62 = arith.muli %mul3A_60, %mul3A_61 : i32
    %add3A_63 = arith.addi %mul3A_62, %mul3A_54 : i32
    %dma_start3A = tpu.memref_slice %arg2[%add3A_63] : memref<16777216xf32, #tpu.memory_space<hbm>> -> memref<8192xf32, #tpu.memory_space<hbm>>
    %dma_start3A_64 = tpu.memref_slice %arg2[%add3A_63] : memref<16777216xf32, #tpu.memory_space<hbm>> -> memref<8192xf32, #tpu.memory_space<hbm>>
    tpu.enqueue_dma source(%dma_start3A_64 : memref<8192xf32, #tpu.memory_space<hbm>>) target(%arg5 : memref<8192xf32, #tpu.memory_space<vmem>>) target_semaphore(%arg18 : memref<!tpu.dma_semaphore, #tpu.memory_space<semaphore_mem>>)
    %mul3A_65 = arith.constant 4 : i32
    %mul3A_66 = arith.muli %select_n3A, %mul3A_65 : i32
    %add3A_67 = arith.constant 1 : i32
    %add3A_68 = arith.addi %mul3A_66, %add3A_67 : i32
    %mul3A_69 = arith.constant 16384 : i32
    %mul3A_70 = arith.muli %add3A_68, %mul3A_69 : i32
    %mul3A_71 = arith.constant 128 : i32
    %mul3A_72 = arith.muli %mul3A_70, %mul3A_71 : i32
    %add3A_73 = arith.addi %mul3A_72, %mul3A_54 : i32
    %dma_start3A_74 = tpu.memref_slice %arg2[%add3A_73] : memref<16777216xf32, #tpu.memory_space<hbm>> -> memref<8192xf32, #tpu.memory_space<hbm>>
    %dma_start3A_75 = tpu.memref_slice %arg2[%add3A_73] : memref<16777216xf32, #tpu.memory_space<hbm>> -> memref<8192xf32, #tpu.memory_space<hbm>>
    tpu.enqueue_dma source(%dma_start3A_75 : memref<8192xf32, #tpu.memory_space<hbm>>) target(%arg6 : memref<8192xf32, #tpu.memory_space<vmem>>) target_semaphore(%arg18 : memref<!tpu.dma_semaphore, #tpu.memory_space<semaphore_mem>>)
    %mul3A_76 = arith.constant 4 : i32
    %mul3A_77 = arith.muli %select_n3A, %mul3A_76 : i32
    %add3A_78 = arith.constant 2 : i32
    %add3A_79 = arith.addi %mul3A_77, %add3A_78 : i32
    %mul3A_80 = arith.constant 16384 : i32
    %mul3A_81 = arith.muli %add3A_79, %mul3A_80 : i32
    %mul3A_82 = arith.constant 128 : i32
    %mul3A_83 = arith.muli %mul3A_81, %mul3A_82 : i32
    %add3A_84 = arith.addi %mul3A_83, %mul3A_54 : i32
    %dma_start3A_85 = tpu.memref_slice %arg2[%add3A_84] : memref<16777216xf32, #tpu.memory_space<hbm>> -> memref<8192xf32, #tpu.memory_space<hbm>>
    %dma_start3A_86 = tpu.memref_slice %arg2[%add3A_84] : memref<16777216xf32, #tpu.memory_space<hbm>> -> memref<8192xf32, #tpu.memory_space<hbm>>
    tpu.enqueue_dma source(%dma_start3A_86 : memref<8192xf32, #tpu.memory_space<hbm>>) target(%arg7 : memref<8192xf32, #tpu.memory_space<vmem>>) target_semaphore(%arg18 : memref<!tpu.dma_semaphore, #tpu.memory_space<semaphore_mem>>)
    %mul3A_87 = arith.constant 4 : i32
    %mul3A_88 = arith.muli %select_n3A, %mul3A_87 : i32
    %add3A_89 = arith.constant 3 : i32
    %add3A_90 = arith.addi %mul3A_88, %add3A_89 : i32
    %mul3A_91 = arith.constant 16384 : i32
    %mul3A_92 = arith.muli %add3A_90, %mul3A_91 : i32
    %mul3A_93 = arith.constant 128 : i32
    %mul3A_94 = arith.muli %mul3A_92, %mul3A_93 : i32
    %add3A_95 = arith.addi %mul3A_94, %mul3A_54 : i32
    %dma_start3A_96 = tpu.memref_slice %arg2[%add3A_95] : memref<16777216xf32, #tpu.memory_space<hbm>> -> memref<8192xf32, #tpu.memory_space<hbm>>
    %dma_start3A_97 = tpu.memref_slice %arg2[%add3A_95] : memref<16777216xf32, #tpu.memory_space<hbm>> -> memref<8192xf32, #tpu.memory_space<hbm>>
    tpu.enqueue_dma source(%dma_start3A_97 : memref<8192xf32, #tpu.memory_space<hbm>>) target(%arg8 : memref<8192xf32, #tpu.memory_space<vmem>>) target_semaphore(%arg18 : memref<!tpu.dma_semaphore, #tpu.memory_space<semaphore_mem>>)
    %mul3A_98 = arith.constant 16384 : i32
    %mul3A_99 = arith.muli %select_n3A, %mul3A_98 : i32
    %mul3A_100 = arith.constant 128 : i32
    %mul3A_101 = arith.muli %mul3A_99, %mul3A_100 : i32
    %add3A_102 = arith.addi %mul3A_101, %mul3A_54 : i32
    %dma_start3A_103 = tpu.memref_slice %arg3[%add3A_102] : memref<4194304xi32, #tpu.memory_space<hbm>> -> memref<8192xi32, #tpu.memory_space<hbm>>
    %dma_start3A_104 = tpu.memref_slice %arg3[%add3A_102] : memref<4194304xi32, #tpu.memory_space<hbm>> -> memref<8192xi32, #tpu.memory_space<hbm>>
    tpu.enqueue_dma source(%dma_start3A_104 : memref<8192xi32, #tpu.memory_space<hbm>>) target(%arg9 : memref<8192xi32, #tpu.memory_space<vmem>>) target_semaphore(%arg18 : memref<!tpu.dma_semaphore, #tpu.memory_space<semaphore_mem>>)
    %scan3A = arith.constant 0 : i32
    %scan3A_105 = arith.constant 4 : i32
    %scan3A_106 = arith.addi %scan3A, %scan3A_105 : i32
    %scan3A_107 = arith.constant 1 : i32
    %scan3A_108:4 = scf.for %scan3A_173 = %scan3A to %scan3A_106 step %scan3A_107 iter_args(%scan3A_174 = %broadcast_in_dim3A_33, %scan3A_175 = %broadcast_in_dim3A_33, %scan3A_176 = %broadcast_in_dim3A_33, %scan3A_177 = %broadcast_in_dim3A_33) -> (vector<16xf32>, vector<16xf32>, vector<16xf32>, vector<16xf32>)  : i32 {
      %mul3A_178 = arith.constant 2 : i32
      %mul3A_179 = arith.muli %mul3A_178, %scan3A_173 : i32
      %dma_wait3A = arith.constant 0 : i32
      %dma_wait3A_180 = tpu.memref_slice %arg2[%dma_wait3A] : memref<16777216xf32, #tpu.memory_space<hbm>> -> memref<8192xf32, #tpu.memory_space<hbm>>
      %dma_wait3A_181 = arith.constant 0 : i32
      %dma_wait3A_182 = tpu.memref_slice %arg2[%dma_wait3A_181] : memref<16777216xf32, #tpu.memory_space<hbm>> -> memref<8192xf32, #tpu.memory_space<hbm>>
      tpu.wait_dma2 semaphore(%arg18 : memref<!tpu.dma_semaphore, #tpu.memory_space<semaphore_mem>>) src(%dma_wait3A_182 : memref<8192xf32, #tpu.memory_space<hbm>>) dst(%arg5 : memref<8192xf32, #tpu.memory_space<vmem>>)
      %dma_wait3A_183 = arith.constant 0 : i32
      %dma_wait3A_184 = tpu.memref_slice %arg2[%dma_wait3A_183] : memref<16777216xf32, #tpu.memory_space<hbm>> -> memref<8192xf32, #tpu.memory_space<hbm>>
      %dma_wait3A_185 = arith.constant 0 : i32
      %dma_wait3A_186 = tpu.memref_slice %arg2[%dma_wait3A_185] : memref<16777216xf32, #tpu.memory_space<hbm>> -> memref<8192xf32, #tpu.memory_space<hbm>>
      tpu.wait_dma2 semaphore(%arg18 : memref<!tpu.dma_semaphore, #tpu.memory_space<semaphore_mem>>) src(%dma_wait3A_186 : memref<8192xf32, #tpu.memory_space<hbm>>) dst(%arg6 : memref<8192xf32, #tpu.memory_space<vmem>>)
      %dma_wait3A_187 = arith.constant 0 : i32
      %dma_wait3A_188 = tpu.memref_slice %arg2[%dma_wait3A_187] : memref<16777216xf32, #tpu.memory_space<hbm>> -> memref<8192xf32, #tpu.memory_space<hbm>>
      %dma_wait3A_189 = arith.constant 0 : i32
      %dma_wait3A_190 = tpu.memref_slice %arg2[%dma_wait3A_189] : memref<16777216xf32, #tpu.memory_space<hbm>> -> memref<8192xf32, #tpu.memory_space<hbm>>
      tpu.wait_dma2 semaphore(%arg18 : memref<!tpu.dma_semaphore, #tpu.memory_space<semaphore_mem>>) src(%dma_wait3A_190 : memref<8192xf32, #tpu.memory_space<hbm>>) dst(%arg7 : memref<8192xf32, #tpu.memory_space<vmem>>)
      %dma_wait3A_191 = arith.constant 0 : i32
      %dma_wait3A_192 = tpu.memref_slice %arg2[%dma_wait3A_191] : memref<16777216xf32, #tpu.memory_space<hbm>> -> memref<8192xf32, #tpu.memory_space<hbm>>
      %dma_wait3A_193 = arith.constant 0 : i32
      %dma_wait3A_194 = tpu.memref_slice %arg2[%dma_wait3A_193] : memref<16777216xf32, #tpu.memory_space<hbm>> -> memref<8192xf32, #tpu.memory_space<hbm>>
      tpu.wait_dma2 semaphore(%arg18 : memref<!tpu.dma_semaphore, #tpu.memory_space<semaphore_mem>>) src(%dma_wait3A_194 : memref<8192xf32, #tpu.memory_space<hbm>>) dst(%arg8 : memref<8192xf32, #tpu.memory_space<vmem>>)
      %dma_wait3A_195 = arith.constant 0 : i32
      %dma_wait3A_196 = tpu.memref_slice %arg3[%dma_wait3A_195] : memref<4194304xi32, #tpu.memory_space<hbm>> -> memref<8192xi32, #tpu.memory_space<hbm>>
      %dma_wait3A_197 = arith.constant 0 : i32
      %dma_wait3A_198 = tpu.memref_slice %arg3[%dma_wait3A_197] : memref<4194304xi32, #tpu.memory_space<hbm>> -> memref<8192xi32, #tpu.memory_space<hbm>>
      tpu.wait_dma2 semaphore(%arg18 : memref<!tpu.dma_semaphore, #tpu.memory_space<semaphore_mem>>) src(%dma_wait3A_198 : memref<8192xi32, #tpu.memory_space<hbm>>) dst(%arg9 : memref<8192xi32, #tpu.memory_space<vmem>>)
      %add3A_199 = arith.constant 1 : i32
      %add3A_200 = arith.addi %mul3A_179, %add3A_199 : i32
      %mul3A_201 = arith.constant 64 : i32
      %mul3A_202 = arith.muli %add3A_200, %mul3A_201 : i32
      %add3A_203 = arith.addi %mul3A_32, %mul3A_202 : i32
      %mul3A_204 = arith.constant 128 : i32
      %mul3A_205 = arith.muli %add3A_203, %mul3A_204 : i32
      %mul3A_206 = arith.constant 4 : i32
      %mul3A_207 = arith.muli %select_n3A, %mul3A_206 : i32
      %add3A_208 = arith.constant 0 : i32
      %add3A_209 = arith.addi %mul3A_207, %add3A_208 : i32
      %mul3A_210 = arith.constant 16384 : i32
      %mul3A_211 = arith.muli %add3A_209, %mul3A_210 : i32
      %mul3A_212 = arith.constant 128 : i32
      %mul3A_213 = arith.muli %mul3A_211, %mul3A_212 : i32
      %add3A_214 = arith.addi %mul3A_213, %mul3A_205 : i32
      %dma_start3A_215 = tpu.memref_slice %arg2[%add3A_214] : memref<16777216xf32, #tpu.memory_space<hbm>> -> memref<8192xf32, #tpu.memory_space<hbm>>
      %dma_start3A_216 = tpu.memref_slice %arg2[%add3A_214] : memref<16777216xf32, #tpu.memory_space<hbm>> -> memref<8192xf32, #tpu.memory_space<hbm>>
      tpu.enqueue_dma source(%dma_start3A_216 : memref<8192xf32, #tpu.memory_space<hbm>>) target(%arg10 : memref<8192xf32, #tpu.memory_space<vmem>>) target_semaphore(%arg19 : memref<!tpu.dma_semaphore, #tpu.memory_space<semaphore_mem>>)
      %mul3A_217 = arith.constant 4 : i32
      %mul3A_218 = arith.muli %select_n3A, %mul3A_217 : i32
      %add3A_219 = arith.constant 1 : i32
      %add3A_220 = arith.addi %mul3A_218, %add3A_219 : i32
      %mul3A_221 = arith.constant 16384 : i32
      %mul3A_222 = arith.muli %add3A_220, %mul3A_221 : i32
      %mul3A_223 = arith.constant 128 : i32
      %mul3A_224 = arith.muli %mul3A_222, %mul3A_223 : i32
      %add3A_225 = arith.addi %mul3A_224, %mul3A_205 : i32
      %dma_start3A_226 = tpu.memref_slice %arg2[%add3A_225] : memref<16777216xf32, #tpu.memory_space<hbm>> -> memref<8192xf32, #tpu.memory_space<hbm>>
      %dma_start3A_227 = tpu.memref_slice %arg2[%add3A_225] : memref<16777216xf32, #tpu.memory_space<hbm>> -> memref<8192xf32, #tpu.memory_space<hbm>>
      tpu.enqueue_dma source(%dma_start3A_227 : memref<8192xf32, #tpu.memory_space<hbm>>) target(%arg11 : memref<8192xf32, #tpu.memory_space<vmem>>) target_semaphore(%arg19 : memref<!tpu.dma_semaphore, #tpu.memory_space<semaphore_mem>>)
      %mul3A_228 = arith.constant 4 : i32
      %mul3A_229 = arith.muli %select_n3A, %mul3A_228 : i32
      %add3A_230 = arith.constant 2 : i32
      %add3A_231 = arith.addi %mul3A_229, %add3A_230 : i32
      %mul3A_232 = arith.constant 16384 : i32
      %mul3A_233 = arith.muli %add3A_231, %mul3A_232 : i32
      %mul3A_234 = arith.constant 128 : i32
      %mul3A_235 = arith.muli %mul3A_233, %mul3A_234 : i32
      %add3A_236 = arith.addi %mul3A_235, %mul3A_205 : i32
      %dma_start3A_237 = tpu.memref_slice %arg2[%add3A_236] : memref<16777216xf32, #tpu.memory_space<hbm>> -> memref<8192xf32, #tpu.memory_space<hbm>>
      %dma_start3A_238 = tpu.memref_slice %arg2[%add3A_236] : memref<16777216xf32, #tpu.memory_space<hbm>> -> memref<8192xf32, #tpu.memory_space<hbm>>
      tpu.enqueue_dma source(%dma_start3A_238 : memref<8192xf32, #tpu.memory_space<hbm>>) target(%arg12 : memref<8192xf32, #tpu.memory_space<vmem>>) target_semaphore(%arg19 : memref<!tpu.dma_semaphore, #tpu.memory_space<semaphore_mem>>)
      %mul3A_239 = arith.constant 4 : i32
      %mul3A_240 = arith.muli %select_n3A, %mul3A_239 : i32
      %add3A_241 = arith.constant 3 : i32
      %add3A_242 = arith.addi %mul3A_240, %add3A_241 : i32
      %mul3A_243 = arith.constant 16384 : i32
      %mul3A_244 = arith.muli %add3A_242, %mul3A_243 : i32
      %mul3A_245 = arith.constant 128 : i32
      %mul3A_246 = arith.muli %mul3A_244, %mul3A_245 : i32
      %add3A_247 = arith.addi %mul3A_246, %mul3A_205 : i32
      %dma_start3A_248 = tpu.memref_slice %arg2[%add3A_247] : memref<16777216xf32, #tpu.memory_space<hbm>> -> memref<8192xf32, #tpu.memory_space<hbm>>
      %dma_start3A_249 = tpu.memref_slice %arg2[%add3A_247] : memref<16777216xf32, #tpu.memory_space<hbm>> -> memref<8192xf32, #tpu.memory_space<hbm>>
      tpu.enqueue_dma source(%dma_start3A_249 : memref<8192xf32, #tpu.memory_space<hbm>>) target(%arg13 : memref<8192xf32, #tpu.memory_space<vmem>>) target_semaphore(%arg19 : memref<!tpu.dma_semaphore, #tpu.memory_space<semaphore_mem>>)
      %mul3A_250 = arith.constant 16384 : i32
      %mul3A_251 = arith.muli %select_n3A, %mul3A_250 : i32
      %mul3A_252 = arith.constant 128 : i32
      %mul3A_253 = arith.muli %mul3A_251, %mul3A_252 : i32
      %add3A_254 = arith.addi %mul3A_253, %mul3A_205 : i32
      %dma_start3A_255 = tpu.memref_slice %arg3[%add3A_254] : memref<4194304xi32, #tpu.memory_space<hbm>> -> memref<8192xi32, #tpu.memory_space<hbm>>
      %dma_start3A_256 = tpu.memref_slice %arg3[%add3A_254] : memref<4194304xi32, #tpu.memory_space<hbm>> -> memref<8192xi32, #tpu.memory_space<hbm>>
      tpu.enqueue_dma source(%dma_start3A_256 : memref<8192xi32, #tpu.memory_space<hbm>>) target(%arg14 : memref<8192xi32, #tpu.memory_space<vmem>>) target_semaphore(%arg19 : memref<!tpu.dma_semaphore, #tpu.memory_space<semaphore_mem>>)
      %parallel_loop3A = arith.constant 0 : i32
      %parallel_loop3A_257 = arith.constant 8192 : i32
      %parallel_loop3A_258 = arith.constant 16 : i32
      %parallel_loop3A_259:4 = scf.for %parallel_loop3A_289 = %parallel_loop3A to %parallel_loop3A_257 step %parallel_loop3A_258 iter_args(%parallel_loop3A_290 = %scan3A_174, %parallel_loop3A_291 = %scan3A_175, %parallel_loop3A_292 = %scan3A_176, %parallel_loop3A_293 = %scan3A_177) -> (vector<16xf32>, vector<16xf32>, vector<16xf32>, vector<16xf32>)  : i32 {
        %parallel_loop3A_294 = arith.index_cast %parallel_loop3A_289 : i32 to index
        %parallel_loop3A_295 = tpu.vector_load %arg5[%parallel_loop3A_294] {strides = array<i32>} : memref<8192xf32, #tpu.memory_space<vmem>>, vector<16xf32>,
        %parallel_loop3A_296 = arith.index_cast %parallel_loop3A_289 : i32 to index
        %parallel_loop3A_297 = tpu.vector_load %arg6[%parallel_loop3A_296] {strides = array<i32>} : memref<8192xf32, #tpu.memory_space<vmem>>, vector<16xf32>,
        %parallel_loop3A_298 = arith.index_cast %parallel_loop3A_289 : i32 to index
        %parallel_loop3A_299 = tpu.vector_load %arg7[%parallel_loop3A_298] {strides = array<i32>} : memref<8192xf32, #tpu.memory_space<vmem>>, vector<16xf32>,
        %parallel_loop3A_300 = arith.index_cast %parallel_loop3A_289 : i32 to index
        %parallel_loop3A_301 = tpu.vector_load %arg8[%parallel_loop3A_300] {strides = array<i32>} : memref<8192xf32, #tpu.memory_space<vmem>>, vector<16xf32>,
        %parallel_loop3A_302 = arith.index_cast %parallel_loop3A_289 : i32 to index
        %parallel_loop3A_303 = tpu.vector_load %arg9[%parallel_loop3A_302] {strides = array<i32>} : memref<8192xi32, #tpu.memory_space<vmem>>, vector<16xi32>,
        %parallel_loop3A_304 = math.exp %parallel_loop3A_295 : vector<16xf32>
        %parallel_loop3A_305 = math.exp %parallel_loop3A_297 : vector<16xf32>
        %parallel_loop3A_306 = math.exp %parallel_loop3A_299 : vector<16xf32>
        %parallel_loop3A_307 = math.exp %parallel_loop3A_301 : vector<16xf32>
        %parallel_loop3A_308 = arith.addf %parallel_loop3A_304, %parallel_loop3A_305 : vector<16xf32>
        %parallel_loop3A_309 = arith.addf %parallel_loop3A_306, %parallel_loop3A_307 : vector<16xf32>
        %parallel_loop3A_310 = arith.addf %parallel_loop3A_308, %parallel_loop3A_309 : vector<16xf32>
        %parallel_loop3A_311 = arith.constant 1.000000e+00 : f32
        %parallel_loop3A_312 = vector.broadcast %parallel_loop3A_311 : f32 to vector<16xf32>
        %parallel_loop3A_313 = arith.divf %parallel_loop3A_312, %parallel_loop3A_310 : vector<16xf32>
        %parallel_loop3A_314 = arith.mulf %parallel_loop3A_304, %parallel_loop3A_313 : vector<16xf32>
        %parallel_loop3A_315 = arith.mulf %parallel_loop3A_305, %parallel_loop3A_313 : vector<16xf32>
        %parallel_loop3A_316 = arith.mulf %parallel_loop3A_306, %parallel_loop3A_313 : vector<16xf32>
        %parallel_loop3A_317 = arith.mulf %parallel_loop3A_307, %parallel_loop3A_313 : vector<16xf32>
        %parallel_loop3A_318 = arith.constant 0 : i32
        %parallel_loop3A_319 = vector.broadcast %parallel_loop3A_318 : i32 to vector<16xi32>
        %parallel_loop3A_320 = arith.cmpi eq, %parallel_loop3A_303, %parallel_loop3A_319 : vector<16xi32>
        %parallel_loop3A_321 = arith.constant 1 : i32
        %parallel_loop3A_322 = vector.broadcast %parallel_loop3A_321 : i32 to vector<16xi32>
        %parallel_loop3A_323 = arith.cmpi eq, %parallel_loop3A_303, %parallel_loop3A_322 : vector<16xi32>
        %parallel_loop3A_324 = arith.constant 2 : i32
        %parallel_loop3A_325 = vector.broadcast %parallel_loop3A_324 : i32 to vector<16xi32>
        %parallel_loop3A_326 = arith.cmpi eq, %parallel_loop3A_303, %parallel_loop3A_325 : vector<16xi32>
        %parallel_loop3A_327 = arith.select %parallel_loop3A_326, %parallel_loop3A_316, %parallel_loop3A_317 : vector<16xi1>, vector<16xf32>
        %parallel_loop3A_328 = arith.select %parallel_loop3A_323, %parallel_loop3A_315, %parallel_loop3A_327 : vector<16xi1>, vector<16xf32>
        %parallel_loop3A_329 = arith.select %parallel_loop3A_320, %parallel_loop3A_314, %parallel_loop3A_328 : vector<16xi1>, vector<16xf32>
        %parallel_loop3A_330 = arith.constant 4 : i32
        %parallel_loop3A_331 = vector.broadcast %parallel_loop3A_330 : i32 to vector<16xi32>
        %parallel_loop3A_332 = arith.shli %parallel_loop3A_303, %parallel_loop3A_331 : vector<16xi32>
        %parallel_loop3A_333 = arith.addi %parallel_loop3A_332, %iota3A : vector<16xi32>
        tpu.vector_store_idx %arg15[%parallel_loop3A_333], %parallel_loop3A_329 {add = true} : memref<64xf32, #tpu.memory_space<vmem>>[vector<16xi32>], vector<16xf32>,
        tpu.vector_store_idx %arg16[%parallel_loop3A_333], %broadcast_in_dim3A_35 {add = true} : memref<64xf32, #tpu.memory_space<vmem>>[vector<16xi32>], vector<16xf32>,
        %parallel_loop3A_334 = arith.addf %parallel_loop3A_290, %parallel_loop3A_314 : vector<16xf32>
        %parallel_loop3A_335 = arith.addf %parallel_loop3A_291, %parallel_loop3A_315 : vector<16xf32>
        %parallel_loop3A_336 = arith.addf %parallel_loop3A_292, %parallel_loop3A_316 : vector<16xf32>
        %parallel_loop3A_337 = arith.addf %parallel_loop3A_293, %parallel_loop3A_317 : vector<16xf32>
        scf.yield %parallel_loop3A_334, %parallel_loop3A_335, %parallel_loop3A_336, %parallel_loop3A_337 : vector<16xf32>, vector<16xf32>, vector<16xf32>, vector<16xf32>
      } {sc.loop_unroll_factor = 4 : i64, sc.parallel_access}
      %dma_wait3A_260 = arith.constant 0 : i32
      %dma_wait3A_261 = tpu.memref_slice %arg2[%dma_wait3A_260] : memref<16777216xf32, #tpu.memory_space<hbm>> -> memref<8192xf32, #tpu.memory_space<hbm>>
      %dma_wait3A_262 = arith.constant 0 : i32
      %dma_wait3A_263 = tpu.memref_slice %arg2[%dma_wait3A_262] : memref<16777216xf32, #tpu.memory_space<hbm>> -> memref<8192xf32, #tpu.memory_space<hbm>>
      tpu.wait_dma2 semaphore(%arg19 : memref<!tpu.dma_semaphore, #tpu.memory_space<semaphore_mem>>) src(%dma_wait3A_263 : memref<8192xf32, #tpu.memory_space<hbm>>) dst(%arg10 : memref<8192xf32, #tpu.memory_space<vmem>>)
      %dma_wait3A_264 = arith.constant 0 : i32
      %dma_wait3A_265 = tpu.memref_slice %arg2[%dma_wait3A_264] : memref<16777216xf32, #tpu.memory_space<hbm>> -> memref<8192xf32, #tpu.memory_space<hbm>>
      %dma_wait3A_266 = arith.constant 0 : i32
      %dma_wait3A_267 = tpu.memref_slice %arg2[%dma_wait3A_266] : memref<16777216xf32, #tpu.memory_space<hbm>> -> memref<8192xf32, #tpu.memory_space<hbm>>
      tpu.wait_dma2 semaphore(%arg19 : memref<!tpu.dma_semaphore, #tpu.memory_space<semaphore_mem>>) src(%dma_wait3A_267 : memref<8192xf32, #tpu.memory_space<hbm>>) dst(%arg11 : memref<8192xf32, #tpu.memory_space<vmem>>)
      %dma_wait3A_268 = arith.constant 0 : i32
      %dma_wait3A_269 = tpu.memref_slice %arg2[%dma_wait3A_268] : memref<16777216xf32, #tpu.memory_space<hbm>> -> memref<8192xf32, #tpu.memory_space<hbm>>
      %dma_wait3A_270 = arith.constant 0 : i32
      %dma_wait3A_271 = tpu.memref_slice %arg2[%dma_wait3A_270] : memref<16777216xf32, #tpu.memory_space<hbm>> -> memref<8192xf32, #tpu.memory_space<hbm>>
      tpu.wait_dma2 semaphore(%arg19 : memref<!tpu.dma_semaphore, #tpu.memory_space<semaphore_mem>>) src(%dma_wait3A_271 : memref<8192xf32, #tpu.memory_space<hbm>>) dst(%arg12 : memref<8192xf32, #tpu.memory_space<vmem>>)
      %dma_wait3A_272 = arith.constant 0 : i32
      %dma_wait3A_273 = tpu.memref_slice %arg2[%dma_wait3A_272] : memref<16777216xf32, #tpu.memory_space<hbm>> -> memref<8192xf32, #tpu.memory_space<hbm>>
      %dma_wait3A_274 = arith.constant 0 : i32
      %dma_wait3A_275 = tpu.memref_slice %arg2[%dma_wait3A_274] : memref<16777216xf32, #tpu.memory_space<hbm>> -> memref<8192xf32, #tpu.memory_space<hbm>>
      tpu.wait_dma2 semaphore(%arg19 : memref<!tpu.dma_semaphore, #tpu.memory_space<semaphore_mem>>) src(%dma_wait3A_275 : memref<8192xf32, #tpu.memory_space<hbm>>) dst(%arg13 : memref<8192xf32, #tpu.memory_space<vmem>>)
      %dma_wait3A_276 = arith.constant 0 : i32
      %dma_wait3A_277 = tpu.memref_slice %arg3[%dma_wait3A_276] : memref<4194304xi32, #tpu.memory_space<hbm>> -> memref<8192xi32, #tpu.memory_space<hbm>>
      %dma_wait3A_278 = arith.constant 0 : i32
      %dma_wait3A_279 = tpu.memref_slice %arg3[%dma_wait3A_278] : memref<4194304xi32, #tpu.memory_space<hbm>> -> memref<8192xi32, #tpu.memory_space<hbm>>
      tpu.wait_dma2 semaphore(%arg19 : memref<!tpu.dma_semaphore, #tpu.memory_space<semaphore_mem>>) src(%dma_wait3A_279 : memref<8192xi32, #tpu.memory_space<hbm>>) dst(%arg14 : memref<8192xi32, #tpu.memory_space<vmem>>)
      %add3A_280 = arith.constant 2 : i32
      %add3A_281 = arith.addi %mul3A_179, %add3A_280 : i32
      %lt3A_282 = arith.constant 8 : i32
      %lt3A_283 = arith.cmpi slt, %add3A_281, %lt3A_282 : i32
      %convert_element_type3A = arith.extui %lt3A_283 : i1 to i32
      %cond3A = arith.constant 0 : i32
      %cond3A_284 = arith.cmpi ne, %convert_element_type3A, %cond3A : i32
      scf.if %cond3A_284 {
        %add3A_289 = arith.constant 2 : i32
        %add3A_290 = arith.addi %mul3A_179, %add3A_289 : i32
        %mul3A_291 = arith.constant 64 : i32
        %mul3A_292 = arith.muli %add3A_290, %mul3A_291 : i32
        %add3A_293 = arith.addi %mul3A_32, %mul3A_292 : i32
        %mul3A_294 = arith.constant 128 : i32
        %mul3A_295 = arith.muli %add3A_293, %mul3A_294 : i32
        %mul3A_296 = arith.constant 4 : i32
        %mul3A_297 = arith.muli %select_n3A, %mul3A_296 : i32
        %add3A_298 = arith.constant 0 : i32
        %add3A_299 = arith.addi %mul3A_297, %add3A_298 : i32
        %mul3A_300 = arith.constant 16384 : i32
        %mul3A_301 = arith.muli %add3A_299, %mul3A_300 : i32
        %mul3A_302 = arith.constant 128 : i32
        %mul3A_303 = arith.muli %mul3A_301, %mul3A_302 : i32
        %add3A_304 = arith.addi %mul3A_303, %mul3A_295 : i32
        %dma_start3A_305 = tpu.memref_slice %arg2[%add3A_304] : memref<16777216xf32, #tpu.memory_space<hbm>> -> memref<8192xf32, #tpu.memory_space<hbm>>
        %dma_start3A_306 = tpu.memref_slice %arg2[%add3A_304] : memref<16777216xf32, #tpu.memory_space<hbm>> -> memref<8192xf32, #tpu.memory_space<hbm>>
        tpu.enqueue_dma source(%dma_start3A_306 : memref<8192xf32, #tpu.memory_space<hbm>>) target(%arg5 : memref<8192xf32, #tpu.memory_space<vmem>>) target_semaphore(%arg18 : memref<!tpu.dma_semaphore, #tpu.memory_space<semaphore_mem>>)
        %mul3A_307 = arith.constant 4 : i32
        %mul3A_308 = arith.muli %select_n3A, %mul3A_307 : i32
        %add3A_309 = arith.constant 1 : i32
        %add3A_310 = arith.addi %mul3A_308, %add3A_309 : i32
        %mul3A_311 = arith.constant 16384 : i32
        %mul3A_312 = arith.muli %add3A_310, %mul3A_311 : i32
        %mul3A_313 = arith.constant 128 : i32
        %mul3A_314 = arith.muli %mul3A_312, %mul3A_313 : i32
        %add3A_315 = arith.addi %mul3A_314, %mul3A_295 : i32
        %dma_start3A_316 = tpu.memref_slice %arg2[%add3A_315] : memref<16777216xf32, #tpu.memory_space<hbm>> -> memref<8192xf32, #tpu.memory_space<hbm>>
        %dma_start3A_317 = tpu.memref_slice %arg2[%add3A_315] : memref<16777216xf32, #tpu.memory_space<hbm>> -> memref<8192xf32, #tpu.memory_space<hbm>>
        tpu.enqueue_dma source(%dma_start3A_317 : memref<8192xf32, #tpu.memory_space<hbm>>) target(%arg6 : memref<8192xf32, #tpu.memory_space<vmem>>) target_semaphore(%arg18 : memref<!tpu.dma_semaphore, #tpu.memory_space<semaphore_mem>>)
        %mul3A_318 = arith.constant 4 : i32
        %mul3A_319 = arith.muli %select_n3A, %mul3A_318 : i32
        %add3A_320 = arith.constant 2 : i32
        %add3A_321 = arith.addi %mul3A_319, %add3A_320 : i32
        %mul3A_322 = arith.constant 16384 : i32
        %mul3A_323 = arith.muli %add3A_321, %mul3A_322 : i32
        %mul3A_324 = arith.constant 128 : i32
        %mul3A_325 = arith.muli %mul3A_323, %mul3A_324 : i32
        %add3A_326 = arith.addi %mul3A_325, %mul3A_295 : i32
        %dma_start3A_327 = tpu.memref_slice %arg2[%add3A_326] : memref<16777216xf32, #tpu.memory_space<hbm>> -> memref<8192xf32, #tpu.memory_space<hbm>>
        %dma_start3A_328 = tpu.memref_slice %arg2[%add3A_326] : memref<16777216xf32, #tpu.memory_space<hbm>> -> memref<8192xf32, #tpu.memory_space<hbm>>
        tpu.enqueue_dma source(%dma_start3A_328 : memref<8192xf32, #tpu.memory_space<hbm>>) target(%arg7 : memref<8192xf32, #tpu.memory_space<vmem>>) target_semaphore(%arg18 : memref<!tpu.dma_semaphore, #tpu.memory_space<semaphore_mem>>)
        %mul3A_329 = arith.constant 4 : i32
        %mul3A_330 = arith.muli %select_n3A, %mul3A_329 : i32
        %add3A_331 = arith.constant 3 : i32
        %add3A_332 = arith.addi %mul3A_330, %add3A_331 : i32
        %mul3A_333 = arith.constant 16384 : i32
        %mul3A_334 = arith.muli %add3A_332, %mul3A_333 : i32
        %mul3A_335 = arith.constant 128 : i32
        %mul3A_336 = arith.muli %mul3A_334, %mul3A_335 : i32
        %add3A_337 = arith.addi %mul3A_336, %mul3A_295 : i32
        %dma_start3A_338 = tpu.memref_slice %arg2[%add3A_337] : memref<16777216xf32, #tpu.memory_space<hbm>> -> memref<8192xf32, #tpu.memory_space<hbm>>
        %dma_start3A_339 = tpu.memref_slice %arg2[%add3A_337] : memref<16777216xf32, #tpu.memory_space<hbm>> -> memref<8192xf32, #tpu.memory_space<hbm>>
        tpu.enqueue_dma source(%dma_start3A_339 : memref<8192xf32, #tpu.memory_space<hbm>>) target(%arg8 : memref<8192xf32, #tpu.memory_space<vmem>>) target_semaphore(%arg18 : memref<!tpu.dma_semaphore, #tpu.memory_space<semaphore_mem>>)
        %mul3A_340 = arith.constant 16384 : i32
        %mul3A_341 = arith.muli %select_n3A, %mul3A_340 : i32
        %mul3A_342 = arith.constant 128 : i32
        %mul3A_343 = arith.muli %mul3A_341, %mul3A_342 : i32
        %add3A_344 = arith.addi %mul3A_343, %mul3A_295 : i32
        %dma_start3A_345 = tpu.memref_slice %arg3[%add3A_344] : memref<4194304xi32, #tpu.memory_space<hbm>> -> memref<8192xi32, #tpu.memory_space<hbm>>
        %dma_start3A_346 = tpu.memref_slice %arg3[%add3A_344] : memref<4194304xi32, #tpu.memory_space<hbm>> -> memref<8192xi32, #tpu.memory_space<hbm>>
        tpu.enqueue_dma source(%dma_start3A_346 : memref<8192xi32, #tpu.memory_space<hbm>>) target(%arg9 : memref<8192xi32, #tpu.memory_space<vmem>>) target_semaphore(%arg18 : memref<!tpu.dma_semaphore, #tpu.memory_space<semaphore_mem>>)
      } else {
      }
      %parallel_loop3A_285 = arith.constant 0 : i32
      %parallel_loop3A_286 = arith.constant 8192 : i32
      %parallel_loop3A_287 = arith.constant 16 : i32
      %parallel_loop3A_288:4 = scf.for %parallel_loop3A_289 = %parallel_loop3A_285 to %parallel_loop3A_286 step %parallel_loop3A_287 iter_args(%parallel_loop3A_290 = %parallel_loop3A_259#0, %parallel_loop3A_291 = %parallel_loop3A_259#1, %parallel_loop3A_292 = %parallel_loop3A_259#2, %parallel_loop3A_293 = %parallel_loop3A_259#3) -> (vector<16xf32>, vector<16xf32>, vector<16xf32>, vector<16xf32>)  : i32 {
        %parallel_loop3A_294 = arith.index_cast %parallel_loop3A_289 : i32 to index
        %parallel_loop3A_295 = tpu.vector_load %arg10[%parallel_loop3A_294] {strides = array<i32>} : memref<8192xf32, #tpu.memory_space<vmem>>, vector<16xf32>,
        %parallel_loop3A_296 = arith.index_cast %parallel_loop3A_289 : i32 to index
        %parallel_loop3A_297 = tpu.vector_load %arg11[%parallel_loop3A_296] {strides = array<i32>} : memref<8192xf32, #tpu.memory_space<vmem>>, vector<16xf32>,
        %parallel_loop3A_298 = arith.index_cast %parallel_loop3A_289 : i32 to index
        %parallel_loop3A_299 = tpu.vector_load %arg12[%parallel_loop3A_298] {strides = array<i32>} : memref<8192xf32, #tpu.memory_space<vmem>>, vector<16xf32>,
        %parallel_loop3A_300 = arith.index_cast %parallel_loop3A_289 : i32 to index
        %parallel_loop3A_301 = tpu.vector_load %arg13[%parallel_loop3A_300] {strides = array<i32>} : memref<8192xf32, #tpu.memory_space<vmem>>, vector<16xf32>,
        %parallel_loop3A_302 = arith.index_cast %parallel_loop3A_289 : i32 to index
        %parallel_loop3A_303 = tpu.vector_load %arg14[%parallel_loop3A_302] {strides = array<i32>} : memref<8192xi32, #tpu.memory_space<vmem>>, vector<16xi32>,
        %parallel_loop3A_304 = math.exp %parallel_loop3A_295 : vector<16xf32>
        %parallel_loop3A_305 = math.exp %parallel_loop3A_297 : vector<16xf32>
        %parallel_loop3A_306 = math.exp %parallel_loop3A_299 : vector<16xf32>
        %parallel_loop3A_307 = math.exp %parallel_loop3A_301 : vector<16xf32>
        %parallel_loop3A_308 = arith.addf %parallel_loop3A_304, %parallel_loop3A_305 : vector<16xf32>
        %parallel_loop3A_309 = arith.addf %parallel_loop3A_306, %parallel_loop3A_307 : vector<16xf32>
        %parallel_loop3A_310 = arith.addf %parallel_loop3A_308, %parallel_loop3A_309 : vector<16xf32>
        %parallel_loop3A_311 = arith.constant 1.000000e+00 : f32
        %parallel_loop3A_312 = vector.broadcast %parallel_loop3A_311 : f32 to vector<16xf32>
        %parallel_loop3A_313 = arith.divf %parallel_loop3A_312, %parallel_loop3A_310 : vector<16xf32>
        %parallel_loop3A_314 = arith.mulf %parallel_loop3A_304, %parallel_loop3A_313 : vector<16xf32>
        %parallel_loop3A_315 = arith.mulf %parallel_loop3A_305, %parallel_loop3A_313 : vector<16xf32>
        %parallel_loop3A_316 = arith.mulf %parallel_loop3A_306, %parallel_loop3A_313 : vector<16xf32>
        %parallel_loop3A_317 = arith.mulf %parallel_loop3A_307, %parallel_loop3A_313 : vector<16xf32>
        %parallel_loop3A_318 = arith.constant 0 : i32
        %parallel_loop3A_319 = vector.broadcast %parallel_loop3A_318 : i32 to vector<16xi32>
        %parallel_loop3A_320 = arith.cmpi eq, %parallel_loop3A_303, %parallel_loop3A_319 : vector<16xi32>
        %parallel_loop3A_321 = arith.constant 1 : i32
        %parallel_loop3A_322 = vector.broadcast %parallel_loop3A_321 : i32 to vector<16xi32>
        %parallel_loop3A_323 = arith.cmpi eq, %parallel_loop3A_303, %parallel_loop3A_322 : vector<16xi32>
        %parallel_loop3A_324 = arith.constant 2 : i32
        %parallel_loop3A_325 = vector.broadcast %parallel_loop3A_324 : i32 to vector<16xi32>
        %parallel_loop3A_326 = arith.cmpi eq, %parallel_loop3A_303, %parallel_loop3A_325 : vector<16xi32>
        %parallel_loop3A_327 = arith.select %parallel_loop3A_326, %parallel_loop3A_316, %parallel_loop3A_317 : vector<16xi1>, vector<16xf32>
        %parallel_loop3A_328 = arith.select %parallel_loop3A_323, %parallel_loop3A_315, %parallel_loop3A_327 : vector<16xi1>, vector<16xf32>
        %parallel_loop3A_329 = arith.select %parallel_loop3A_320, %parallel_loop3A_314, %parallel_loop3A_328 : vector<16xi1>, vector<16xf32>
        %parallel_loop3A_330 = arith.constant 4 : i32
        %parallel_loop3A_331 = vector.broadcast %parallel_loop3A_330 : i32 to vector<16xi32>
        %parallel_loop3A_332 = arith.shli %parallel_loop3A_303, %parallel_loop3A_331 : vector<16xi32>
        %parallel_loop3A_333 = arith.addi %parallel_loop3A_332, %iota3A : vector<16xi32>
        tpu.vector_store_idx %arg15[%parallel_loop3A_333], %parallel_loop3A_329 {add = true} : memref<64xf32, #tpu.memory_space<vmem>>[vector<16xi32>], vector<16xf32>,
        tpu.vector_store_idx %arg16[%parallel_loop3A_333], %broadcast_in_dim3A_35 {add = true} : memref<64xf32, #tpu.memory_space<vmem>>[vector<16xi32>], vector<16xf32>,
        %parallel_loop3A_334 = arith.addf %parallel_loop3A_290, %parallel_loop3A_314 : vector<16xf32>
        %parallel_loop3A_335 = arith.addf %parallel_loop3A_291, %parallel_loop3A_315 : vector<16xf32>
        %parallel_loop3A_336 = arith.addf %parallel_loop3A_292, %parallel_loop3A_316 : vector<16xf32>
        %parallel_loop3A_337 = arith.addf %parallel_loop3A_293, %parallel_loop3A_317 : vector<16xf32>
        scf.yield %parallel_loop3A_334, %parallel_loop3A_335, %parallel_loop3A_336, %parallel_loop3A_337 : vector<16xf32>, vector<16xf32>, vector<16xf32>, vector<16xf32>
      } {sc.loop_unroll_factor = 4 : i64, sc.parallel_access}
      scf.yield %parallel_loop3A_288#0, %parallel_loop3A_288#1, %parallel_loop3A_288#2, %parallel_loop3A_288#3 : vector<16xf32>, vector<16xf32>, vector<16xf32>, vector<16xf32>
    }
    %scan3A_109 = arith.constant 4 : i32
    %swap3A_110 = arith.constant 0 : i32
    %swap3A_111 = arith.index_cast %swap3A_110 : i32 to index
    %swap3A_112 = arith.constant 0 : index
    %swap3A_113 = tpu.vector_load %arg17[%swap3A_111, %swap3A_112] {strides = array<i32>} : memref<3x64xf32, #tpu.memory_space<vmem>>, vector<16xf32>,
    tpu.vector_store %arg17[%swap3A_111, %swap3A_112], %scan3A_108#0 {strides = array<i32>} : memref<3x64xf32, #tpu.memory_space<vmem>>, vector<16xf32>,
    %get3A = arith.constant 0 : index
    %get3A_114 = tpu.vector_load %arg15[%get3A] {strides = array<i32>} : memref<64xf32, #tpu.memory_space<vmem>>, vector<16xf32>,
    %swap3A_115 = arith.constant 1 : i32
    %swap3A_116 = arith.index_cast %swap3A_115 : i32 to index
    %swap3A_117 = arith.constant 0 : index
    %swap3A_118 = tpu.vector_load %arg17[%swap3A_116, %swap3A_117] {strides = array<i32>} : memref<3x64xf32, #tpu.memory_space<vmem>>, vector<16xf32>,
    tpu.vector_store %arg17[%swap3A_116, %swap3A_117], %get3A_114 {strides = array<i32>} : memref<3x64xf32, #tpu.memory_space<vmem>>, vector<16xf32>,
    %get3A_119 = arith.constant 0 : index
    %get3A_120 = tpu.vector_load %arg16[%get3A_119] {strides = array<i32>} : memref<64xf32, #tpu.memory_space<vmem>>, vector<16xf32>,
    %swap3A_121 = arith.constant 2 : i32
    %swap3A_122 = arith.index_cast %swap3A_121 : i32 to index
    %swap3A_123 = arith.constant 0 : index
    %swap3A_124 = tpu.vector_load %arg17[%swap3A_122, %swap3A_123] {strides = array<i32>} : memref<3x64xf32, #tpu.memory_space<vmem>>, vector<16xf32>,
    tpu.vector_store %arg17[%swap3A_122, %swap3A_123], %get3A_120 {strides = array<i32>} : memref<3x64xf32, #tpu.memory_space<vmem>>, vector<16xf32>,
    %swap3A_125 = arith.constant 0 : i32
    %swap3A_126 = arith.index_cast %swap3A_125 : i32 to index
    %swap3A_127 = arith.constant 16 : index
    %swap3A_128 = tpu.vector_load %arg17[%swap3A_126, %swap3A_127] {strides = array<i32>} : memref<3x64xf32, #tpu.memory_space<vmem>>, vector<16xf32>,
    tpu.vector_store %arg17[%swap3A_126, %swap3A_127], %scan3A_108#1 {strides = array<i32>} : memref<3x64xf32, #tpu.memory_space<vmem>>, vector<16xf32>,
    %get3A_129 = arith.constant 16 : index
    %get3A_130 = tpu.vector_load %arg15[%get3A_129] {strides = array<i32>} : memref<64xf32, #tpu.memory_space<vmem>>, vector<16xf32>,
    %swap3A_131 = arith.constant 1 : i32
    %swap3A_132 = arith.index_cast %swap3A_131 : i32 to index
    %swap3A_133 = arith.constant 16 : index
    %swap3A_134 = tpu.vector_load %arg17[%swap3A_132, %swap3A_133] {strides = array<i32>} : memref<3x64xf32, #tpu.memory_space<vmem>>, vector<16xf32>,
    tpu.vector_store %arg17[%swap3A_132, %swap3A_133], %get3A_130 {strides = array<i32>} : memref<3x64xf32, #tpu.memory_space<vmem>>, vector<16xf32>,
    %get3A_135 = arith.constant 16 : index
    %get3A_136 = tpu.vector_load %arg16[%get3A_135] {strides = array<i32>} : memref<64xf32, #tpu.memory_space<vmem>>, vector<16xf32>,
    %swap3A_137 = arith.constant 2 : i32
    %swap3A_138 = arith.index_cast %swap3A_137 : i32 to index
    %swap3A_139 = arith.constant 16 : index
    %swap3A_140 = tpu.vector_load %arg17[%swap3A_138, %swap3A_139] {strides = array<i32>} : memref<3x64xf32, #tpu.memory_space<vmem>>, vector<16xf32>,
    tpu.vector_store %arg17[%swap3A_138, %swap3A_139], %get3A_136 {strides = array<i32>} : memref<3x64xf32, #tpu.memory_space<vmem>>, vector<16xf32>,
    %swap3A_141 = arith.constant 0 : i32
    %swap3A_142 = arith.index_cast %swap3A_141 : i32 to index
    %swap3A_143 = arith.constant 32 : index
    %swap3A_144 = tpu.vector_load %arg17[%swap3A_142, %swap3A_143] {strides = array<i32>} : memref<3x64xf32, #tpu.memory_space<vmem>>, vector<16xf32>,
    tpu.vector_store %arg17[%swap3A_142, %swap3A_143], %scan3A_108#2 {strides = array<i32>} : memref<3x64xf32, #tpu.memory_space<vmem>>, vector<16xf32>,
    %get3A_145 = arith.constant 32 : index
    %get3A_146 = tpu.vector_load %arg15[%get3A_145] {strides = array<i32>} : memref<64xf32, #tpu.memory_space<vmem>>, vector<16xf32>,
    %swap3A_147 = arith.constant 1 : i32
    %swap3A_148 = arith.index_cast %swap3A_147 : i32 to index
    %swap3A_149 = arith.constant 32 : index
    %swap3A_150 = tpu.vector_load %arg17[%swap3A_148, %swap3A_149] {strides = array<i32>} : memref<3x64xf32, #tpu.memory_space<vmem>>, vector<16xf32>,
    tpu.vector_store %arg17[%swap3A_148, %swap3A_149], %get3A_146 {strides = array<i32>} : memref<3x64xf32, #tpu.memory_space<vmem>>, vector<16xf32>,
    %get3A_151 = arith.constant 32 : index
    %get3A_152 = tpu.vector_load %arg16[%get3A_151] {strides = array<i32>} : memref<64xf32, #tpu.memory_space<vmem>>, vector<16xf32>,
    %swap3A_153 = arith.constant 2 : i32
    %swap3A_154 = arith.index_cast %swap3A_153 : i32 to index
    %swap3A_155 = arith.constant 32 : index
    %swap3A_156 = tpu.vector_load %arg17[%swap3A_154, %swap3A_155] {strides = array<i32>} : memref<3x64xf32, #tpu.memory_space<vmem>>, vector<16xf32>,
    tpu.vector_store %arg17[%swap3A_154, %swap3A_155], %get3A_152 {strides = array<i32>} : memref<3x64xf32, #tpu.memory_space<vmem>>, vector<16xf32>,
    %swap3A_157 = arith.constant 0 : i32
    %swap3A_158 = arith.index_cast %swap3A_157 : i32 to index
    %swap3A_159 = arith.constant 48 : index
    %swap3A_160 = tpu.vector_load %arg17[%swap3A_158, %swap3A_159] {strides = array<i32>} : memref<3x64xf32, #tpu.memory_space<vmem>>, vector<16xf32>,
    tpu.vector_store %arg17[%swap3A_158, %swap3A_159], %scan3A_108#3 {strides = array<i32>} : memref<3x64xf32, #tpu.memory_space<vmem>>, vector<16xf32>,
    %get3A_161 = arith.constant 48 : index
    %get3A_162 = tpu.vector_load %arg15[%get3A_161] {strides = array<i32>} : memref<64xf32, #tpu.memory_space<vmem>>, vector<16xf32>,
    %swap3A_163 = arith.constant 1 : i32
    %swap3A_164 = arith.index_cast %swap3A_163 : i32 to index
    %swap3A_165 = arith.constant 48 : index
    %swap3A_166 = tpu.vector_load %arg17[%swap3A_164, %swap3A_165] {strides = array<i32>} : memref<3x64xf32, #tpu.memory_space<vmem>>, vector<16xf32>,
    tpu.vector_store %arg17[%swap3A_164, %swap3A_165], %get3A_162 {strides = array<i32>} : memref<3x64xf32, #tpu.memory_space<vmem>>, vector<16xf32>,
    %get3A_167 = arith.constant 48 : index
    %get3A_168 = tpu.vector_load %arg16[%get3A_167] {strides = array<i32>} : memref<64xf32, #tpu.memory_space<vmem>>, vector<16xf32>,
    %swap3A_169 = arith.constant 2 : i32
    %swap3A_170 = arith.index_cast %swap3A_169 : i32 to index
    %swap3A_171 = arith.constant 48 : index
    %swap3A_172 = tpu.vector_load %arg17[%swap3A_170, %swap3A_171] {strides = array<i32>} : memref<3x64xf32, #tpu.memory_space<vmem>>, vector<16xf32>,
    tpu.vector_store %arg17[%swap3A_170, %swap3A_171], %get3A_168 {strides = array<i32>} : memref<3x64xf32, #tpu.memory_space<vmem>>, vector<16xf32>,
    "tpu.region"() ({
      %run_scoped3A = tpu.sem_alloc : memref<!tpu.dma_semaphore, #tpu.memory_space<semaphore_mem>>
      %dma_start3A_173 = arith.constant 0 : i32
      %dma_start3A_174 = arith.constant 0 : i32
      %dma_start3A_175 = tpu.memref_slice %arg4[%add3A, %dma_start3A_173, %dma_start3A_174] : memref<32x3x64xf32, #tpu.memory_space<hbm>> -> memref<1x3x64xf32, #tpu.memory_space<hbm>>
      %dma_start3A_176 = tpu.memref_squeeze %dma_start3A_175 : memref<1x3x64xf32, #tpu.memory_space<hbm>> -> memref<3x64xf32, #tpu.memory_space<hbm>>
      %dma_start3A_177 = arith.constant 0 : i32
      %dma_start3A_178 = arith.constant 0 : i32
      %dma_start3A_179 = tpu.memref_slice %arg4[%add3A, %dma_start3A_177, %dma_start3A_178] : memref<32x3x64xf32, #tpu.memory_space<hbm>> -> memref<1x3x64xf32, #tpu.memory_space<hbm>>
      %dma_start3A_180 = tpu.memref_squeeze %dma_start3A_179 : memref<1x3x64xf32, #tpu.memory_space<hbm>> -> memref<3x64xf32, #tpu.memory_space<hbm>>
      tpu.enqueue_dma source(%arg17 : memref<3x64xf32, #tpu.memory_space<vmem>>) target(%dma_start3A_180 : memref<3x64xf32, #tpu.memory_space<hbm>>) target_semaphore(%run_scoped3A : memref<!tpu.dma_semaphore, #tpu.memory_space<semaphore_mem>>)
      %dma_wait3A = arith.constant 0 : i32
      %dma_wait3A_181 = arith.constant 0 : i32
      %dma_wait3A_182 = tpu.memref_slice %arg4[%add3A, %dma_wait3A, %dma_wait3A_181] : memref<32x3x64xf32, #tpu.memory_space<hbm>> -> memref<1x3x64xf32, #tpu.memory_space<hbm>>
      %dma_wait3A_183 = tpu.memref_squeeze %dma_wait3A_182 : memref<1x3x64xf32, #tpu.memory_space<hbm>> -> memref<3x64xf32, #tpu.memory_space<hbm>>
      %dma_wait3A_184 = arith.constant 0 : i32
      %dma_wait3A_185 = arith.constant 0 : i32
      %dma_wait3A_186 = tpu.memref_slice %arg4[%add3A, %dma_wait3A_184, %dma_wait3A_185] : memref<32x3x64xf32, #tpu.memory_space<hbm>> -> memref<1x3x64xf32, #tpu.memory_space<hbm>>
      %dma_wait3A_187 = tpu.memref_squeeze %dma_wait3A_186 : memref<1x3x64xf32, #tpu.memory_space<hbm>> -> memref<3x64xf32, #tpu.memory_space<hbm>>
      tpu.wait_dma2 semaphore(%run_scoped3A : memref<!tpu.dma_semaphore, #tpu.memory_space<semaphore_mem>>) src(%arg17 : memref<3x64xf32, #tpu.memory_space<vmem>>) dst(%dma_wait3A_187 : memref<3x64xf32, #tpu.memory_space<hbm>>)
      tpu.yield
    }) : () -> ()
    return
  }
}

module attributes {stable_mosaic.version = 14 : i64} {
  func.func @_tc_body(%arg0: i32, %arg1: i32, %arg2: memref<4x1024x128xf32, #tpu.memory_space<vmem>>, %arg3: memref<1x1024x128xi32, #tpu.memory_space<vmem>>, %arg4: memref<3x4xf32, #tpu.memory_space<smem>>) attributes {dimension_semantics = [#tpu.dimension_semantics<arbitrary>, #tpu.dimension_semantics<arbitrary>], iteration_bounds = array<i64: 2, 8>, scalar_prefetch = 0 : i64, scratch_operands = 0 : i64, tpu.core_type = #tpu.core_type<tc>, window_params = [{transform_indices = @transform_0, window_bounds = array<i64: 4, 1024, 128>}, {transform_indices = @transform_1, window_bounds = array<i64: 1, 1024, 128>}, {transform_indices = @transform_2, window_bounds = array<i64: 3, 4>}]} {
    %eq3A = arith.constant 0 : i32
    %eq3A_0 = arith.cmpi eq, %arg0, %eq3A : i32
    %eq3A_1 = arith.constant 0 : i32
    %eq3A_2 = arith.cmpi eq, %arg1, %eq3A_1 : i32
    %and3A = arith.andi %eq3A_0, %eq3A_2 : i1
    %convert_element_type3A = arith.extui %and3A : i1 to i32
    %cond3A = arith.constant 0 : i32
    %cond3A_3 = arith.cmpi ne, %convert_element_type3A, %cond3A : i32
    scf.if %cond3A_3 {
      %swap3A_195 = arith.constant 0.000000e+00 : f32
      %swap3A_196 = arith.constant 0 : index
      %swap3A_197 = arith.constant 0 : index
      %swap3A_198 = memref.load %arg4[%swap3A_196, %swap3A_197] : memref<3x4xf32, #tpu.memory_space<smem>>
      memref.store %swap3A_195, %arg4[%swap3A_196, %swap3A_197] : memref<3x4xf32, #tpu.memory_space<smem>>
      %swap3A_199 = arith.constant 0.000000e+00 : f32
      %swap3A_200 = arith.constant 0 : index
      %swap3A_201 = arith.constant 1 : index
      %swap3A_202 = memref.load %arg4[%swap3A_200, %swap3A_201] : memref<3x4xf32, #tpu.memory_space<smem>>
      memref.store %swap3A_199, %arg4[%swap3A_200, %swap3A_201] : memref<3x4xf32, #tpu.memory_space<smem>>
      %swap3A_203 = arith.constant 0.000000e+00 : f32
      %swap3A_204 = arith.constant 0 : index
      %swap3A_205 = arith.constant 2 : index
      %swap3A_206 = memref.load %arg4[%swap3A_204, %swap3A_205] : memref<3x4xf32, #tpu.memory_space<smem>>
      memref.store %swap3A_203, %arg4[%swap3A_204, %swap3A_205] : memref<3x4xf32, #tpu.memory_space<smem>>
      %swap3A_207 = arith.constant 0.000000e+00 : f32
      %swap3A_208 = arith.constant 0 : index
      %swap3A_209 = arith.constant 3 : index
      %swap3A_210 = memref.load %arg4[%swap3A_208, %swap3A_209] : memref<3x4xf32, #tpu.memory_space<smem>>
      memref.store %swap3A_207, %arg4[%swap3A_208, %swap3A_209] : memref<3x4xf32, #tpu.memory_space<smem>>
      %swap3A_211 = arith.constant 0.000000e+00 : f32
      %swap3A_212 = arith.constant 1 : index
      %swap3A_213 = arith.constant 0 : index
      %swap3A_214 = memref.load %arg4[%swap3A_212, %swap3A_213] : memref<3x4xf32, #tpu.memory_space<smem>>
      memref.store %swap3A_211, %arg4[%swap3A_212, %swap3A_213] : memref<3x4xf32, #tpu.memory_space<smem>>
      %swap3A_215 = arith.constant 0.000000e+00 : f32
      %swap3A_216 = arith.constant 1 : index
      %swap3A_217 = arith.constant 1 : index
      %swap3A_218 = memref.load %arg4[%swap3A_216, %swap3A_217] : memref<3x4xf32, #tpu.memory_space<smem>>
      memref.store %swap3A_215, %arg4[%swap3A_216, %swap3A_217] : memref<3x4xf32, #tpu.memory_space<smem>>
      %swap3A_219 = arith.constant 0.000000e+00 : f32
      %swap3A_220 = arith.constant 1 : index
      %swap3A_221 = arith.constant 2 : index
      %swap3A_222 = memref.load %arg4[%swap3A_220, %swap3A_221] : memref<3x4xf32, #tpu.memory_space<smem>>
      memref.store %swap3A_219, %arg4[%swap3A_220, %swap3A_221] : memref<3x4xf32, #tpu.memory_space<smem>>
      %swap3A_223 = arith.constant 0.000000e+00 : f32
      %swap3A_224 = arith.constant 1 : index
      %swap3A_225 = arith.constant 3 : index
      %swap3A_226 = memref.load %arg4[%swap3A_224, %swap3A_225] : memref<3x4xf32, #tpu.memory_space<smem>>
      memref.store %swap3A_223, %arg4[%swap3A_224, %swap3A_225] : memref<3x4xf32, #tpu.memory_space<smem>>
      %swap3A_227 = arith.constant 0.000000e+00 : f32
      %swap3A_228 = arith.constant 2 : index
      %swap3A_229 = arith.constant 0 : index
      %swap3A_230 = memref.load %arg4[%swap3A_228, %swap3A_229] : memref<3x4xf32, #tpu.memory_space<smem>>
      memref.store %swap3A_227, %arg4[%swap3A_228, %swap3A_229] : memref<3x4xf32, #tpu.memory_space<smem>>
      %swap3A_231 = arith.constant 0.000000e+00 : f32
      %swap3A_232 = arith.constant 2 : index
      %swap3A_233 = arith.constant 1 : index
      %swap3A_234 = memref.load %arg4[%swap3A_232, %swap3A_233] : memref<3x4xf32, #tpu.memory_space<smem>>
      memref.store %swap3A_231, %arg4[%swap3A_232, %swap3A_233] : memref<3x4xf32, #tpu.memory_space<smem>>
      %swap3A_235 = arith.constant 0.000000e+00 : f32
      %swap3A_236 = arith.constant 2 : index
      %swap3A_237 = arith.constant 2 : index
      %swap3A_238 = memref.load %arg4[%swap3A_236, %swap3A_237] : memref<3x4xf32, #tpu.memory_space<smem>>
      memref.store %swap3A_235, %arg4[%swap3A_236, %swap3A_237] : memref<3x4xf32, #tpu.memory_space<smem>>
      %swap3A_239 = arith.constant 0.000000e+00 : f32
      %swap3A_240 = arith.constant 2 : index
      %swap3A_241 = arith.constant 3 : index
      %swap3A_242 = memref.load %arg4[%swap3A_240, %swap3A_241] : memref<3x4xf32, #tpu.memory_space<smem>>
      memref.store %swap3A_239, %arg4[%swap3A_240, %swap3A_241] : memref<3x4xf32, #tpu.memory_space<smem>>
    } else {
    }
    %get3A = arith.constant 0 : index
    %get3A_4 = arith.constant 0 : index
    %get3A_5 = arith.constant 0 : index
    %get3A_6 = vector.load %arg2[%get3A, %get3A_4, %get3A_5] : memref<4x1024x128xf32, #tpu.memory_space<vmem>>, vector<4x1024x128xf32>
    %get3A_7 = arith.constant 0 : index
    %get3A_8 = arith.constant 0 : index
    %get3A_9 = arith.constant 0 : index
    %get3A_10 = vector.load %arg3[%get3A_7, %get3A_8, %get3A_9] : memref<1x1024x128xi32, #tpu.memory_space<vmem>>, vector<1x1024x128xi32>
    %get3A_11 = vector.shape_cast %get3A_10 : vector<1x1024x128xi32> to vector<1024x128xi32>
    %exp3A = math.exp %get3A_6 : vector<4x1024x128xf32>
    %reduce_sum3A = arith.constant dense<0.000000e+00> : vector<1024x128xf32>
    %reduce_sum3A_12 = vector.multi_reduction <add>, %exp3A, %reduce_sum3A [0] : vector<4x1024x128xf32> to vector<1024x128xf32>
    %div3A = arith.constant 1.000000e+00 : f32
    %div3A_13 = vector.broadcast %div3A : f32 to vector<1024x128xf32>
    %div3A_14 = arith.divf %div3A_13, %reduce_sum3A_12 : vector<1024x128xf32>
    %slice3A = vector.extract_strided_slice %exp3A {offsets = [0, 0, 0], sizes = [1, 1024, 128], strides = [1, 1, 1]} : vector<4x1024x128xf32> to vector<1x1024x128xf32>
    %squeeze3A = vector.shape_cast %slice3A : vector<1x1024x128xf32> to vector<1024x128xf32>
    %mul3A = arith.mulf %squeeze3A, %div3A_14 : vector<1024x128xf32>
    %eq3A_15 = arith.constant 0 : i32
    %eq3A_16 = vector.broadcast %eq3A_15 : i32 to vector<1024x128xi32>
    %eq3A_17 = arith.cmpi eq, %get3A_11, %eq3A_16 : vector<1024x128xi32>
    %get3A_18 = arith.constant 0 : index
    %get3A_19 = arith.constant 0 : index
    %get3A_20 = memref.load %arg4[%get3A_18, %get3A_19] : memref<3x4xf32, #tpu.memory_space<smem>>
    %reduce_sum3A_21 = vector.shape_cast %mul3A : vector<1024x128xf32> to vector<1x1024x128xf32>
    %reduce_sum3A_22 = arith.constant dense<0.000000e+00> : vector<1xf32>
    %reduce_sum3A_23 = vector.multi_reduction <add>, %reduce_sum3A_21, %reduce_sum3A_22 [1, 2] : vector<1x1024x128xf32> to vector<1xf32>
    %reduce_sum3A_24 = vector.shape_cast %reduce_sum3A_23 : vector<1xf32> to vector<1x1x1xf32>
    %reduce_sum3A_25 = vector.extract %reduce_sum3A_24[0, 0, 0] : f32 from vector<1x1x1xf32>
    %add3A = arith.addf %get3A_20, %reduce_sum3A_25 : f32
    %swap3A = arith.constant 0 : index
    %swap3A_26 = arith.constant 0 : index
    %swap3A_27 = memref.load %arg4[%swap3A, %swap3A_26] : memref<3x4xf32, #tpu.memory_space<smem>>
    memref.store %add3A, %arg4[%swap3A, %swap3A_26] : memref<3x4xf32, #tpu.memory_space<smem>>
    %get3A_28 = arith.constant 1 : index
    %get3A_29 = arith.constant 0 : index
    %get3A_30 = memref.load %arg4[%get3A_28, %get3A_29] : memref<3x4xf32, #tpu.memory_space<smem>>
    %jit3A = arith.constant 0.000000e+00 : f32
    %broadcast_in_dim3A = vector.broadcast %jit3A : f32 to vector<1024x128xf32>
    %select_n3A = arith.select %eq3A_17, %mul3A, %broadcast_in_dim3A : vector<1024x128xi1>, vector<1024x128xf32>
    %reduce_sum3A_31 = vector.shape_cast %select_n3A : vector<1024x128xf32> to vector<1x1024x128xf32>
    %reduce_sum3A_32 = arith.constant dense<0.000000e+00> : vector<1xf32>
    %reduce_sum3A_33 = vector.multi_reduction <add>, %reduce_sum3A_31, %reduce_sum3A_32 [1, 2] : vector<1x1024x128xf32> to vector<1xf32>
    %reduce_sum3A_34 = vector.shape_cast %reduce_sum3A_33 : vector<1xf32> to vector<1x1x1xf32>
    %reduce_sum3A_35 = vector.extract %reduce_sum3A_34[0, 0, 0] : f32 from vector<1x1x1xf32>
    %add3A_36 = arith.addf %get3A_30, %reduce_sum3A_35 : f32
    %swap3A_37 = arith.constant 1 : index
    %swap3A_38 = arith.constant 0 : index
    %swap3A_39 = memref.load %arg4[%swap3A_37, %swap3A_38] : memref<3x4xf32, #tpu.memory_space<smem>>
    memref.store %add3A_36, %arg4[%swap3A_37, %swap3A_38] : memref<3x4xf32, #tpu.memory_space<smem>>
    %get3A_40 = arith.constant 2 : index
    %get3A_41 = arith.constant 0 : index
    %get3A_42 = memref.load %arg4[%get3A_40, %get3A_41] : memref<3x4xf32, #tpu.memory_space<smem>>
    %convert_element_type3A_43 = arith.extui %eq3A_17 : vector<1024x128xi1> to vector<1024x128xi32>
    %convert_element_type3A_44 = arith.sitofp %convert_element_type3A_43 : vector<1024x128xi32> to vector<1024x128xf32>
    %reduce_sum3A_45 = vector.shape_cast %convert_element_type3A_44 : vector<1024x128xf32> to vector<1x1024x128xf32>
    %reduce_sum3A_46 = arith.constant dense<0.000000e+00> : vector<1xf32>
    %reduce_sum3A_47 = vector.multi_reduction <add>, %reduce_sum3A_45, %reduce_sum3A_46 [1, 2] : vector<1x1024x128xf32> to vector<1xf32>
    %reduce_sum3A_48 = vector.shape_cast %reduce_sum3A_47 : vector<1xf32> to vector<1x1x1xf32>
    %reduce_sum3A_49 = vector.extract %reduce_sum3A_48[0, 0, 0] : f32 from vector<1x1x1xf32>
    %add3A_50 = arith.addf %get3A_42, %reduce_sum3A_49 : f32
    %swap3A_51 = arith.constant 2 : index
    %swap3A_52 = arith.constant 0 : index
    %swap3A_53 = memref.load %arg4[%swap3A_51, %swap3A_52] : memref<3x4xf32, #tpu.memory_space<smem>>
    memref.store %add3A_50, %arg4[%swap3A_51, %swap3A_52] : memref<3x4xf32, #tpu.memory_space<smem>>
    %slice3A_54 = vector.extract_strided_slice %exp3A {offsets = [1, 0, 0], sizes = [1, 1024, 128], strides = [1, 1, 1]} : vector<4x1024x128xf32> to vector<1x1024x128xf32>
    %squeeze3A_55 = vector.shape_cast %slice3A_54 : vector<1x1024x128xf32> to vector<1024x128xf32>
    %mul3A_56 = arith.mulf %squeeze3A_55, %div3A_14 : vector<1024x128xf32>
    %eq3A_57 = arith.constant 1 : i32
    %eq3A_58 = vector.broadcast %eq3A_57 : i32 to vector<1024x128xi32>
    %eq3A_59 = arith.cmpi eq, %get3A_11, %eq3A_58 : vector<1024x128xi32>
    %get3A_60 = arith.constant 0 : index
    %get3A_61 = arith.constant 1 : index
    %get3A_62 = memref.load %arg4[%get3A_60, %get3A_61] : memref<3x4xf32, #tpu.memory_space<smem>>
    %reduce_sum3A_63 = vector.shape_cast %mul3A_56 : vector<1024x128xf32> to vector<1x1024x128xf32>
    %reduce_sum3A_64 = arith.constant dense<0.000000e+00> : vector<1xf32>
    %reduce_sum3A_65 = vector.multi_reduction <add>, %reduce_sum3A_63, %reduce_sum3A_64 [1, 2] : vector<1x1024x128xf32> to vector<1xf32>
    %reduce_sum3A_66 = vector.shape_cast %reduce_sum3A_65 : vector<1xf32> to vector<1x1x1xf32>
    %reduce_sum3A_67 = vector.extract %reduce_sum3A_66[0, 0, 0] : f32 from vector<1x1x1xf32>
    %add3A_68 = arith.addf %get3A_62, %reduce_sum3A_67 : f32
    %swap3A_69 = arith.constant 0 : index
    %swap3A_70 = arith.constant 1 : index
    %swap3A_71 = memref.load %arg4[%swap3A_69, %swap3A_70] : memref<3x4xf32, #tpu.memory_space<smem>>
    memref.store %add3A_68, %arg4[%swap3A_69, %swap3A_70] : memref<3x4xf32, #tpu.memory_space<smem>>
    %get3A_72 = arith.constant 1 : index
    %get3A_73 = arith.constant 1 : index
    %get3A_74 = memref.load %arg4[%get3A_72, %get3A_73] : memref<3x4xf32, #tpu.memory_space<smem>>
    %jit3A_75 = arith.constant 0.000000e+00 : f32
    %broadcast_in_dim3A_76 = vector.broadcast %jit3A_75 : f32 to vector<1024x128xf32>
    %select_n3A_77 = arith.select %eq3A_59, %mul3A_56, %broadcast_in_dim3A_76 : vector<1024x128xi1>, vector<1024x128xf32>
    %reduce_sum3A_78 = vector.shape_cast %select_n3A_77 : vector<1024x128xf32> to vector<1x1024x128xf32>
    %reduce_sum3A_79 = arith.constant dense<0.000000e+00> : vector<1xf32>
    %reduce_sum3A_80 = vector.multi_reduction <add>, %reduce_sum3A_78, %reduce_sum3A_79 [1, 2] : vector<1x1024x128xf32> to vector<1xf32>
    %reduce_sum3A_81 = vector.shape_cast %reduce_sum3A_80 : vector<1xf32> to vector<1x1x1xf32>
    %reduce_sum3A_82 = vector.extract %reduce_sum3A_81[0, 0, 0] : f32 from vector<1x1x1xf32>
    %add3A_83 = arith.addf %get3A_74, %reduce_sum3A_82 : f32
    %swap3A_84 = arith.constant 1 : index
    %swap3A_85 = arith.constant 1 : index
    %swap3A_86 = memref.load %arg4[%swap3A_84, %swap3A_85] : memref<3x4xf32, #tpu.memory_space<smem>>
    memref.store %add3A_83, %arg4[%swap3A_84, %swap3A_85] : memref<3x4xf32, #tpu.memory_space<smem>>
    %get3A_87 = arith.constant 2 : index
    %get3A_88 = arith.constant 1 : index
    %get3A_89 = memref.load %arg4[%get3A_87, %get3A_88] : memref<3x4xf32, #tpu.memory_space<smem>>
    %convert_element_type3A_90 = arith.extui %eq3A_59 : vector<1024x128xi1> to vector<1024x128xi32>
    %convert_element_type3A_91 = arith.sitofp %convert_element_type3A_90 : vector<1024x128xi32> to vector<1024x128xf32>
    %reduce_sum3A_92 = vector.shape_cast %convert_element_type3A_91 : vector<1024x128xf32> to vector<1x1024x128xf32>
    %reduce_sum3A_93 = arith.constant dense<0.000000e+00> : vector<1xf32>
    %reduce_sum3A_94 = vector.multi_reduction <add>, %reduce_sum3A_92, %reduce_sum3A_93 [1, 2] : vector<1x1024x128xf32> to vector<1xf32>
    %reduce_sum3A_95 = vector.shape_cast %reduce_sum3A_94 : vector<1xf32> to vector<1x1x1xf32>
    %reduce_sum3A_96 = vector.extract %reduce_sum3A_95[0, 0, 0] : f32 from vector<1x1x1xf32>
    %add3A_97 = arith.addf %get3A_89, %reduce_sum3A_96 : f32
    %swap3A_98 = arith.constant 2 : index
    %swap3A_99 = arith.constant 1 : index
    %swap3A_100 = memref.load %arg4[%swap3A_98, %swap3A_99] : memref<3x4xf32, #tpu.memory_space<smem>>
    memref.store %add3A_97, %arg4[%swap3A_98, %swap3A_99] : memref<3x4xf32, #tpu.memory_space<smem>>
    %slice3A_101 = vector.extract_strided_slice %exp3A {offsets = [2, 0, 0], sizes = [1, 1024, 128], strides = [1, 1, 1]} : vector<4x1024x128xf32> to vector<1x1024x128xf32>
    %squeeze3A_102 = vector.shape_cast %slice3A_101 : vector<1x1024x128xf32> to vector<1024x128xf32>
    %mul3A_103 = arith.mulf %squeeze3A_102, %div3A_14 : vector<1024x128xf32>
    %eq3A_104 = arith.constant 2 : i32
    %eq3A_105 = vector.broadcast %eq3A_104 : i32 to vector<1024x128xi32>
    %eq3A_106 = arith.cmpi eq, %get3A_11, %eq3A_105 : vector<1024x128xi32>
    %get3A_107 = arith.constant 0 : index
    %get3A_108 = arith.constant 2 : index
    %get3A_109 = memref.load %arg4[%get3A_107, %get3A_108] : memref<3x4xf32, #tpu.memory_space<smem>>
    %reduce_sum3A_110 = vector.shape_cast %mul3A_103 : vector<1024x128xf32> to vector<1x1024x128xf32>
    %reduce_sum3A_111 = arith.constant dense<0.000000e+00> : vector<1xf32>
    %reduce_sum3A_112 = vector.multi_reduction <add>, %reduce_sum3A_110, %reduce_sum3A_111 [1, 2] : vector<1x1024x128xf32> to vector<1xf32>
    %reduce_sum3A_113 = vector.shape_cast %reduce_sum3A_112 : vector<1xf32> to vector<1x1x1xf32>
    %reduce_sum3A_114 = vector.extract %reduce_sum3A_113[0, 0, 0] : f32 from vector<1x1x1xf32>
    %add3A_115 = arith.addf %get3A_109, %reduce_sum3A_114 : f32
    %swap3A_116 = arith.constant 0 : index
    %swap3A_117 = arith.constant 2 : index
    %swap3A_118 = memref.load %arg4[%swap3A_116, %swap3A_117] : memref<3x4xf32, #tpu.memory_space<smem>>
    memref.store %add3A_115, %arg4[%swap3A_116, %swap3A_117] : memref<3x4xf32, #tpu.memory_space<smem>>
    %get3A_119 = arith.constant 1 : index
    %get3A_120 = arith.constant 2 : index
    %get3A_121 = memref.load %arg4[%get3A_119, %get3A_120] : memref<3x4xf32, #tpu.memory_space<smem>>
    %jit3A_122 = arith.constant 0.000000e+00 : f32
    %broadcast_in_dim3A_123 = vector.broadcast %jit3A_122 : f32 to vector<1024x128xf32>
    %select_n3A_124 = arith.select %eq3A_106, %mul3A_103, %broadcast_in_dim3A_123 : vector<1024x128xi1>, vector<1024x128xf32>
    %reduce_sum3A_125 = vector.shape_cast %select_n3A_124 : vector<1024x128xf32> to vector<1x1024x128xf32>
    %reduce_sum3A_126 = arith.constant dense<0.000000e+00> : vector<1xf32>
    %reduce_sum3A_127 = vector.multi_reduction <add>, %reduce_sum3A_125, %reduce_sum3A_126 [1, 2] : vector<1x1024x128xf32> to vector<1xf32>
    %reduce_sum3A_128 = vector.shape_cast %reduce_sum3A_127 : vector<1xf32> to vector<1x1x1xf32>
    %reduce_sum3A_129 = vector.extract %reduce_sum3A_128[0, 0, 0] : f32 from vector<1x1x1xf32>
    %add3A_130 = arith.addf %get3A_121, %reduce_sum3A_129 : f32
    %swap3A_131 = arith.constant 1 : index
    %swap3A_132 = arith.constant 2 : index
    %swap3A_133 = memref.load %arg4[%swap3A_131, %swap3A_132] : memref<3x4xf32, #tpu.memory_space<smem>>
    memref.store %add3A_130, %arg4[%swap3A_131, %swap3A_132] : memref<3x4xf32, #tpu.memory_space<smem>>
    %get3A_134 = arith.constant 2 : index
    %get3A_135 = arith.constant 2 : index
    %get3A_136 = memref.load %arg4[%get3A_134, %get3A_135] : memref<3x4xf32, #tpu.memory_space<smem>>
    %convert_element_type3A_137 = arith.extui %eq3A_106 : vector<1024x128xi1> to vector<1024x128xi32>
    %convert_element_type3A_138 = arith.sitofp %convert_element_type3A_137 : vector<1024x128xi32> to vector<1024x128xf32>
    %reduce_sum3A_139 = vector.shape_cast %convert_element_type3A_138 : vector<1024x128xf32> to vector<1x1024x128xf32>
    %reduce_sum3A_140 = arith.constant dense<0.000000e+00> : vector<1xf32>
    %reduce_sum3A_141 = vector.multi_reduction <add>, %reduce_sum3A_139, %reduce_sum3A_140 [1, 2] : vector<1x1024x128xf32> to vector<1xf32>
    %reduce_sum3A_142 = vector.shape_cast %reduce_sum3A_141 : vector<1xf32> to vector<1x1x1xf32>
    %reduce_sum3A_143 = vector.extract %reduce_sum3A_142[0, 0, 0] : f32 from vector<1x1x1xf32>
    %add3A_144 = arith.addf %get3A_136, %reduce_sum3A_143 : f32
    %swap3A_145 = arith.constant 2 : index
    %swap3A_146 = arith.constant 2 : index
    %swap3A_147 = memref.load %arg4[%swap3A_145, %swap3A_146] : memref<3x4xf32, #tpu.memory_space<smem>>
    memref.store %add3A_144, %arg4[%swap3A_145, %swap3A_146] : memref<3x4xf32, #tpu.memory_space<smem>>
    %slice3A_148 = vector.extract_strided_slice %exp3A {offsets = [3, 0, 0], sizes = [1, 1024, 128], strides = [1, 1, 1]} : vector<4x1024x128xf32> to vector<1x1024x128xf32>
    %squeeze3A_149 = vector.shape_cast %slice3A_148 : vector<1x1024x128xf32> to vector<1024x128xf32>
    %mul3A_150 = arith.mulf %squeeze3A_149, %div3A_14 : vector<1024x128xf32>
    %eq3A_151 = arith.constant 3 : i32
    %eq3A_152 = vector.broadcast %eq3A_151 : i32 to vector<1024x128xi32>
    %eq3A_153 = arith.cmpi eq, %get3A_11, %eq3A_152 : vector<1024x128xi32>
    %get3A_154 = arith.constant 0 : index
    %get3A_155 = arith.constant 3 : index
    %get3A_156 = memref.load %arg4[%get3A_154, %get3A_155] : memref<3x4xf32, #tpu.memory_space<smem>>
    %reduce_sum3A_157 = vector.shape_cast %mul3A_150 : vector<1024x128xf32> to vector<1x1024x128xf32>
    %reduce_sum3A_158 = arith.constant dense<0.000000e+00> : vector<1xf32>
    %reduce_sum3A_159 = vector.multi_reduction <add>, %reduce_sum3A_157, %reduce_sum3A_158 [1, 2] : vector<1x1024x128xf32> to vector<1xf32>
    %reduce_sum3A_160 = vector.shape_cast %reduce_sum3A_159 : vector<1xf32> to vector<1x1x1xf32>
    %reduce_sum3A_161 = vector.extract %reduce_sum3A_160[0, 0, 0] : f32 from vector<1x1x1xf32>
    %add3A_162 = arith.addf %get3A_156, %reduce_sum3A_161 : f32
    %swap3A_163 = arith.constant 0 : index
    %swap3A_164 = arith.constant 3 : index
    %swap3A_165 = memref.load %arg4[%swap3A_163, %swap3A_164] : memref<3x4xf32, #tpu.memory_space<smem>>
    memref.store %add3A_162, %arg4[%swap3A_163, %swap3A_164] : memref<3x4xf32, #tpu.memory_space<smem>>
    %get3A_166 = arith.constant 1 : index
    %get3A_167 = arith.constant 3 : index
    %get3A_168 = memref.load %arg4[%get3A_166, %get3A_167] : memref<3x4xf32, #tpu.memory_space<smem>>
    %jit3A_169 = arith.constant 0.000000e+00 : f32
    %broadcast_in_dim3A_170 = vector.broadcast %jit3A_169 : f32 to vector<1024x128xf32>
    %select_n3A_171 = arith.select %eq3A_153, %mul3A_150, %broadcast_in_dim3A_170 : vector<1024x128xi1>, vector<1024x128xf32>
    %reduce_sum3A_172 = vector.shape_cast %select_n3A_171 : vector<1024x128xf32> to vector<1x1024x128xf32>
    %reduce_sum3A_173 = arith.constant dense<0.000000e+00> : vector<1xf32>
    %reduce_sum3A_174 = vector.multi_reduction <add>, %reduce_sum3A_172, %reduce_sum3A_173 [1, 2] : vector<1x1024x128xf32> to vector<1xf32>
    %reduce_sum3A_175 = vector.shape_cast %reduce_sum3A_174 : vector<1xf32> to vector<1x1x1xf32>
    %reduce_sum3A_176 = vector.extract %reduce_sum3A_175[0, 0, 0] : f32 from vector<1x1x1xf32>
    %add3A_177 = arith.addf %get3A_168, %reduce_sum3A_176 : f32
    %swap3A_178 = arith.constant 1 : index
    %swap3A_179 = arith.constant 3 : index
    %swap3A_180 = memref.load %arg4[%swap3A_178, %swap3A_179] : memref<3x4xf32, #tpu.memory_space<smem>>
    memref.store %add3A_177, %arg4[%swap3A_178, %swap3A_179] : memref<3x4xf32, #tpu.memory_space<smem>>
    %get3A_181 = arith.constant 2 : index
    %get3A_182 = arith.constant 3 : index
    %get3A_183 = memref.load %arg4[%get3A_181, %get3A_182] : memref<3x4xf32, #tpu.memory_space<smem>>
    %convert_element_type3A_184 = arith.extui %eq3A_153 : vector<1024x128xi1> to vector<1024x128xi32>
    %convert_element_type3A_185 = arith.sitofp %convert_element_type3A_184 : vector<1024x128xi32> to vector<1024x128xf32>
    %reduce_sum3A_186 = vector.shape_cast %convert_element_type3A_185 : vector<1024x128xf32> to vector<1x1024x128xf32>
    %reduce_sum3A_187 = arith.constant dense<0.000000e+00> : vector<1xf32>
    %reduce_sum3A_188 = vector.multi_reduction <add>, %reduce_sum3A_186, %reduce_sum3A_187 [1, 2] : vector<1x1024x128xf32> to vector<1xf32>
    %reduce_sum3A_189 = vector.shape_cast %reduce_sum3A_188 : vector<1xf32> to vector<1x1x1xf32>
    %reduce_sum3A_190 = vector.extract %reduce_sum3A_189[0, 0, 0] : f32 from vector<1x1x1xf32>
    %add3A_191 = arith.addf %get3A_183, %reduce_sum3A_190 : f32
    %swap3A_192 = arith.constant 2 : index
    %swap3A_193 = arith.constant 3 : index
    %swap3A_194 = memref.load %arg4[%swap3A_192, %swap3A_193] : memref<3x4xf32, #tpu.memory_space<smem>>
    memref.store %add3A_191, %arg4[%swap3A_192, %swap3A_193] : memref<3x4xf32, #tpu.memory_space<smem>>
    return
  }
  func.func @transform_0(%arg0: i32, %arg1: i32) -> (i32, i32, i32) {
    %add3A = arith.constant 8 : i32
    %add3A_0 = arith.addi %add3A, %arg1 : i32
    %c0_i32 = arith.constant 0 : i32
    %c0_i32_1 = arith.constant 0 : i32
    return %arg0, %add3A_0, %c0_i32 : i32, i32, i32
  }
  func.func @transform_1(%arg0: i32, %arg1: i32) -> (i32, i32, i32) {
    %add3A = arith.constant 8 : i32
    %add3A_0 = arith.addi %add3A, %arg1 : i32
    %c0_i32 = arith.constant 0 : i32
    %c0_i32_1 = arith.constant 0 : i32
    return %arg0, %add3A_0, %c0_i32 : i32, i32, i32
  }
  func.func @transform_2(%arg0: i32, %arg1: i32) -> (i32, i32) {
    %c0_i32 = arith.constant 0 : i32
    %c0_i32_0 = arith.constant 0 : i32
    %c0_i32_1 = arith.constant 0 : i32
    return %c0_i32, %c0_i32_0 : i32, i32
  }
}

module attributes {stable_mosaic.version = 14 : i64} {
  func.func @_fin_body(%arg0: memref<32x3x64xf32, #tpu.memory_space<vmem>>, %arg1: memref<3x4xf32, #tpu.memory_space<smem>>, %arg2: memref<1x1xf32, #tpu.memory_space<smem>>) attributes {dimension_semantics = [], scalar_prefetch = 0 : i64, scratch_operands = 0 : i64, tpu.core_type = #tpu.core_type<tc>} {
    %get3A = arith.constant 0 : index
    %get3A_0 = arith.constant 0 : index
    %get3A_1 = arith.constant 0 : index
    %get3A_2 = vector.load %arg0[%get3A, %get3A_0, %get3A_1] : memref<32x3x64xf32, #tpu.memory_space<vmem>>, vector<32x3x64xf32>
    %reduce_sum3A = arith.constant dense<0.000000e+00> : vector<3x64xf32>
    %reduce_sum3A_3 = vector.multi_reduction <add>, %get3A_2, %reduce_sum3A [0] : vector<32x3x64xf32> to vector<3x64xf32>
    %slice3A = vector.extract_strided_slice %reduce_sum3A_3 {offsets = [0, 0], sizes = [1, 16], strides = [1, 1]} : vector<3x64xf32> to vector<1x16xf32>
    %reduce_sum3A_4 = vector.shape_cast %slice3A : vector<1x16xf32> to vector<1x1x16xf32>
    %reduce_sum3A_5 = arith.constant dense<0.000000e+00> : vector<1xf32>
    %reduce_sum3A_6 = vector.multi_reduction <add>, %reduce_sum3A_4, %reduce_sum3A_5 [1, 2] : vector<1x1x16xf32> to vector<1xf32>
    %reduce_sum3A_7 = vector.shape_cast %reduce_sum3A_6 : vector<1xf32> to vector<1x1x1xf32>
    %reduce_sum3A_8 = vector.extract %reduce_sum3A_7[0, 0, 0] : f32 from vector<1x1x1xf32>
    %get3A_9 = arith.constant 0 : index
    %get3A_10 = arith.constant 0 : index
    %get3A_11 = memref.load %arg1[%get3A_9, %get3A_10] : memref<3x4xf32, #tpu.memory_space<smem>>
    %add3A = arith.addf %reduce_sum3A_8, %get3A_11 : f32
    %slice3A_12 = vector.extract_strided_slice %reduce_sum3A_3 {offsets = [1, 0], sizes = [1, 16], strides = [1, 1]} : vector<3x64xf32> to vector<1x16xf32>
    %reduce_sum3A_13 = vector.shape_cast %slice3A_12 : vector<1x16xf32> to vector<1x1x16xf32>
    %reduce_sum3A_14 = arith.constant dense<0.000000e+00> : vector<1xf32>
    %reduce_sum3A_15 = vector.multi_reduction <add>, %reduce_sum3A_13, %reduce_sum3A_14 [1, 2] : vector<1x1x16xf32> to vector<1xf32>
    %reduce_sum3A_16 = vector.shape_cast %reduce_sum3A_15 : vector<1xf32> to vector<1x1x1xf32>
    %reduce_sum3A_17 = vector.extract %reduce_sum3A_16[0, 0, 0] : f32 from vector<1x1x1xf32>
    %get3A_18 = arith.constant 1 : index
    %get3A_19 = arith.constant 0 : index
    %get3A_20 = memref.load %arg1[%get3A_18, %get3A_19] : memref<3x4xf32, #tpu.memory_space<smem>>
    %add3A_21 = arith.addf %reduce_sum3A_17, %get3A_20 : f32
    %slice3A_22 = vector.extract_strided_slice %reduce_sum3A_3 {offsets = [2, 0], sizes = [1, 16], strides = [1, 1]} : vector<3x64xf32> to vector<1x16xf32>
    %reduce_sum3A_23 = vector.shape_cast %slice3A_22 : vector<1x16xf32> to vector<1x1x16xf32>
    %reduce_sum3A_24 = arith.constant dense<0.000000e+00> : vector<1xf32>
    %reduce_sum3A_25 = vector.multi_reduction <add>, %reduce_sum3A_23, %reduce_sum3A_24 [1, 2] : vector<1x1x16xf32> to vector<1xf32>
    %reduce_sum3A_26 = vector.shape_cast %reduce_sum3A_25 : vector<1xf32> to vector<1x1x1xf32>
    %reduce_sum3A_27 = vector.extract %reduce_sum3A_26[0, 0, 0] : f32 from vector<1x1x1xf32>
    %get3A_28 = arith.constant 2 : index
    %get3A_29 = arith.constant 0 : index
    %get3A_30 = memref.load %arg1[%get3A_28, %get3A_29] : memref<3x4xf32, #tpu.memory_space<smem>>
    %add3A_31 = arith.addf %reduce_sum3A_27, %get3A_30 : f32
    %sub3A = arith.subf %add3A, %add3A_21 : f32
    %sub3A_32 = arith.subf %add3A_31, %add3A_21 : f32
    %add3A_33 = arith.addf %sub3A, %sub3A_32 : f32
    %add3A_34 = arith.constant 9.99999974E-6 : f32
    %add3A_35 = arith.addf %add3A_33, %add3A_34 : f32
    %div3A = arith.divf %sub3A, %add3A_35 : f32
    %jit3A = arith.constant 2.000000e-01 : f32
    %jit3A_36 = arith.constant 8.000000e-01 : f32
    %max3A = arith.maximumf %jit3A, %div3A : f32
    %min3A = arith.minimumf %jit3A_36, %max3A : f32
    %sub3A_37 = arith.constant 1.000000e+00 : f32
    %sub3A_38 = arith.subf %sub3A_37, %min3A : f32
    %mul3A = arith.mulf %min3A, %sub3A : f32
    %add3A_39 = arith.addf %add3A_21, %mul3A : f32
    %mul3A_40 = arith.mulf %sub3A_38, %sub3A_32 : f32
    %add3A_41 = arith.addf %add3A_39, %mul3A_40 : f32
    %add3A_42 = arith.constant 9.99999974E-6 : f32
    %add3A_43 = arith.addf %add3A_41, %add3A_42 : f32
    %div3A_44 = arith.divf %add3A_21, %add3A_43 : f32
    %sub3A_45 = arith.constant 1.000000e+00 : f32
    %sub3A_46 = arith.subf %sub3A_45, %div3A_44 : f32
    %add3A_47 = arith.constant 0.000000e+00 : f32
    %add3A_48 = arith.addf %add3A_47, %sub3A_46 : f32
    %slice3A_49 = vector.extract_strided_slice %reduce_sum3A_3 {offsets = [0, 16], sizes = [1, 16], strides = [1, 1]} : vector<3x64xf32> to vector<1x16xf32>
    %reduce_sum3A_50 = vector.shape_cast %slice3A_49 : vector<1x16xf32> to vector<1x1x16xf32>
    %reduce_sum3A_51 = arith.constant dense<0.000000e+00> : vector<1xf32>
    %reduce_sum3A_52 = vector.multi_reduction <add>, %reduce_sum3A_50, %reduce_sum3A_51 [1, 2] : vector<1x1x16xf32> to vector<1xf32>
    %reduce_sum3A_53 = vector.shape_cast %reduce_sum3A_52 : vector<1xf32> to vector<1x1x1xf32>
    %reduce_sum3A_54 = vector.extract %reduce_sum3A_53[0, 0, 0] : f32 from vector<1x1x1xf32>
    %get3A_55 = arith.constant 0 : index
    %get3A_56 = arith.constant 1 : index
    %get3A_57 = memref.load %arg1[%get3A_55, %get3A_56] : memref<3x4xf32, #tpu.memory_space<smem>>
    %add3A_58 = arith.addf %reduce_sum3A_54, %get3A_57 : f32
    %slice3A_59 = vector.extract_strided_slice %reduce_sum3A_3 {offsets = [1, 16], sizes = [1, 16], strides = [1, 1]} : vector<3x64xf32> to vector<1x16xf32>
    %reduce_sum3A_60 = vector.shape_cast %slice3A_59 : vector<1x16xf32> to vector<1x1x16xf32>
    %reduce_sum3A_61 = arith.constant dense<0.000000e+00> : vector<1xf32>
    %reduce_sum3A_62 = vector.multi_reduction <add>, %reduce_sum3A_60, %reduce_sum3A_61 [1, 2] : vector<1x1x16xf32> to vector<1xf32>
    %reduce_sum3A_63 = vector.shape_cast %reduce_sum3A_62 : vector<1xf32> to vector<1x1x1xf32>
    %reduce_sum3A_64 = vector.extract %reduce_sum3A_63[0, 0, 0] : f32 from vector<1x1x1xf32>
    %get3A_65 = arith.constant 1 : index
    %get3A_66 = arith.constant 1 : index
    %get3A_67 = memref.load %arg1[%get3A_65, %get3A_66] : memref<3x4xf32, #tpu.memory_space<smem>>
    %add3A_68 = arith.addf %reduce_sum3A_64, %get3A_67 : f32
    %slice3A_69 = vector.extract_strided_slice %reduce_sum3A_3 {offsets = [2, 16], sizes = [1, 16], strides = [1, 1]} : vector<3x64xf32> to vector<1x16xf32>
    %reduce_sum3A_70 = vector.shape_cast %slice3A_69 : vector<1x16xf32> to vector<1x1x16xf32>
    %reduce_sum3A_71 = arith.constant dense<0.000000e+00> : vector<1xf32>
    %reduce_sum3A_72 = vector.multi_reduction <add>, %reduce_sum3A_70, %reduce_sum3A_71 [1, 2] : vector<1x1x16xf32> to vector<1xf32>
    %reduce_sum3A_73 = vector.shape_cast %reduce_sum3A_72 : vector<1xf32> to vector<1x1x1xf32>
    %reduce_sum3A_74 = vector.extract %reduce_sum3A_73[0, 0, 0] : f32 from vector<1x1x1xf32>
    %get3A_75 = arith.constant 2 : index
    %get3A_76 = arith.constant 1 : index
    %get3A_77 = memref.load %arg1[%get3A_75, %get3A_76] : memref<3x4xf32, #tpu.memory_space<smem>>
    %add3A_78 = arith.addf %reduce_sum3A_74, %get3A_77 : f32
    %sub3A_79 = arith.subf %add3A_58, %add3A_68 : f32
    %sub3A_80 = arith.subf %add3A_78, %add3A_68 : f32
    %add3A_81 = arith.addf %sub3A_79, %sub3A_80 : f32
    %add3A_82 = arith.constant 9.99999974E-6 : f32
    %add3A_83 = arith.addf %add3A_81, %add3A_82 : f32
    %div3A_84 = arith.divf %sub3A_79, %add3A_83 : f32
    %jit3A_85 = arith.constant 2.000000e-01 : f32
    %jit3A_86 = arith.constant 8.000000e-01 : f32
    %max3A_87 = arith.maximumf %jit3A_85, %div3A_84 : f32
    %min3A_88 = arith.minimumf %jit3A_86, %max3A_87 : f32
    %sub3A_89 = arith.constant 1.000000e+00 : f32
    %sub3A_90 = arith.subf %sub3A_89, %min3A_88 : f32
    %mul3A_91 = arith.mulf %min3A_88, %sub3A_79 : f32
    %add3A_92 = arith.addf %add3A_68, %mul3A_91 : f32
    %mul3A_93 = arith.mulf %sub3A_90, %sub3A_80 : f32
    %add3A_94 = arith.addf %add3A_92, %mul3A_93 : f32
    %add3A_95 = arith.constant 9.99999974E-6 : f32
    %add3A_96 = arith.addf %add3A_94, %add3A_95 : f32
    %div3A_97 = arith.divf %add3A_68, %add3A_96 : f32
    %sub3A_98 = arith.constant 1.000000e+00 : f32
    %sub3A_99 = arith.subf %sub3A_98, %div3A_97 : f32
    %add3A_100 = arith.addf %add3A_48, %sub3A_99 : f32
    %slice3A_101 = vector.extract_strided_slice %reduce_sum3A_3 {offsets = [0, 32], sizes = [1, 16], strides = [1, 1]} : vector<3x64xf32> to vector<1x16xf32>
    %reduce_sum3A_102 = vector.shape_cast %slice3A_101 : vector<1x16xf32> to vector<1x1x16xf32>
    %reduce_sum3A_103 = arith.constant dense<0.000000e+00> : vector<1xf32>
    %reduce_sum3A_104 = vector.multi_reduction <add>, %reduce_sum3A_102, %reduce_sum3A_103 [1, 2] : vector<1x1x16xf32> to vector<1xf32>
    %reduce_sum3A_105 = vector.shape_cast %reduce_sum3A_104 : vector<1xf32> to vector<1x1x1xf32>
    %reduce_sum3A_106 = vector.extract %reduce_sum3A_105[0, 0, 0] : f32 from vector<1x1x1xf32>
    %get3A_107 = arith.constant 0 : index
    %get3A_108 = arith.constant 2 : index
    %get3A_109 = memref.load %arg1[%get3A_107, %get3A_108] : memref<3x4xf32, #tpu.memory_space<smem>>
    %add3A_110 = arith.addf %reduce_sum3A_106, %get3A_109 : f32
    %slice3A_111 = vector.extract_strided_slice %reduce_sum3A_3 {offsets = [1, 32], sizes = [1, 16], strides = [1, 1]} : vector<3x64xf32> to vector<1x16xf32>
    %reduce_sum3A_112 = vector.shape_cast %slice3A_111 : vector<1x16xf32> to vector<1x1x16xf32>
    %reduce_sum3A_113 = arith.constant dense<0.000000e+00> : vector<1xf32>
    %reduce_sum3A_114 = vector.multi_reduction <add>, %reduce_sum3A_112, %reduce_sum3A_113 [1, 2] : vector<1x1x16xf32> to vector<1xf32>
    %reduce_sum3A_115 = vector.shape_cast %reduce_sum3A_114 : vector<1xf32> to vector<1x1x1xf32>
    %reduce_sum3A_116 = vector.extract %reduce_sum3A_115[0, 0, 0] : f32 from vector<1x1x1xf32>
    %get3A_117 = arith.constant 1 : index
    %get3A_118 = arith.constant 2 : index
    %get3A_119 = memref.load %arg1[%get3A_117, %get3A_118] : memref<3x4xf32, #tpu.memory_space<smem>>
    %add3A_120 = arith.addf %reduce_sum3A_116, %get3A_119 : f32
    %slice3A_121 = vector.extract_strided_slice %reduce_sum3A_3 {offsets = [2, 32], sizes = [1, 16], strides = [1, 1]} : vector<3x64xf32> to vector<1x16xf32>
    %reduce_sum3A_122 = vector.shape_cast %slice3A_121 : vector<1x16xf32> to vector<1x1x16xf32>
    %reduce_sum3A_123 = arith.constant dense<0.000000e+00> : vector<1xf32>
    %reduce_sum3A_124 = vector.multi_reduction <add>, %reduce_sum3A_122, %reduce_sum3A_123 [1, 2] : vector<1x1x16xf32> to vector<1xf32>
    %reduce_sum3A_125 = vector.shape_cast %reduce_sum3A_124 : vector<1xf32> to vector<1x1x1xf32>
    %reduce_sum3A_126 = vector.extract %reduce_sum3A_125[0, 0, 0] : f32 from vector<1x1x1xf32>
    %get3A_127 = arith.constant 2 : index
    %get3A_128 = arith.constant 2 : index
    %get3A_129 = memref.load %arg1[%get3A_127, %get3A_128] : memref<3x4xf32, #tpu.memory_space<smem>>
    %add3A_130 = arith.addf %reduce_sum3A_126, %get3A_129 : f32
    %sub3A_131 = arith.subf %add3A_110, %add3A_120 : f32
    %sub3A_132 = arith.subf %add3A_130, %add3A_120 : f32
    %add3A_133 = arith.addf %sub3A_131, %sub3A_132 : f32
    %add3A_134 = arith.constant 9.99999974E-6 : f32
    %add3A_135 = arith.addf %add3A_133, %add3A_134 : f32
    %div3A_136 = arith.divf %sub3A_131, %add3A_135 : f32
    %jit3A_137 = arith.constant 2.000000e-01 : f32
    %jit3A_138 = arith.constant 8.000000e-01 : f32
    %max3A_139 = arith.maximumf %jit3A_137, %div3A_136 : f32
    %min3A_140 = arith.minimumf %jit3A_138, %max3A_139 : f32
    %sub3A_141 = arith.constant 1.000000e+00 : f32
    %sub3A_142 = arith.subf %sub3A_141, %min3A_140 : f32
    %mul3A_143 = arith.mulf %min3A_140, %sub3A_131 : f32
    %add3A_144 = arith.addf %add3A_120, %mul3A_143 : f32
    %mul3A_145 = arith.mulf %sub3A_142, %sub3A_132 : f32
    %add3A_146 = arith.addf %add3A_144, %mul3A_145 : f32
    %add3A_147 = arith.constant 9.99999974E-6 : f32
    %add3A_148 = arith.addf %add3A_146, %add3A_147 : f32
    %div3A_149 = arith.divf %add3A_120, %add3A_148 : f32
    %sub3A_150 = arith.constant 1.000000e+00 : f32
    %sub3A_151 = arith.subf %sub3A_150, %div3A_149 : f32
    %add3A_152 = arith.addf %add3A_100, %sub3A_151 : f32
    %slice3A_153 = vector.extract_strided_slice %reduce_sum3A_3 {offsets = [0, 48], sizes = [1, 16], strides = [1, 1]} : vector<3x64xf32> to vector<1x16xf32>
    %reduce_sum3A_154 = vector.shape_cast %slice3A_153 : vector<1x16xf32> to vector<1x1x16xf32>
    %reduce_sum3A_155 = arith.constant dense<0.000000e+00> : vector<1xf32>
    %reduce_sum3A_156 = vector.multi_reduction <add>, %reduce_sum3A_154, %reduce_sum3A_155 [1, 2] : vector<1x1x16xf32> to vector<1xf32>
    %reduce_sum3A_157 = vector.shape_cast %reduce_sum3A_156 : vector<1xf32> to vector<1x1x1xf32>
    %reduce_sum3A_158 = vector.extract %reduce_sum3A_157[0, 0, 0] : f32 from vector<1x1x1xf32>
    %get3A_159 = arith.constant 0 : index
    %get3A_160 = arith.constant 3 : index
    %get3A_161 = memref.load %arg1[%get3A_159, %get3A_160] : memref<3x4xf32, #tpu.memory_space<smem>>
    %add3A_162 = arith.addf %reduce_sum3A_158, %get3A_161 : f32
    %slice3A_163 = vector.extract_strided_slice %reduce_sum3A_3 {offsets = [1, 48], sizes = [1, 16], strides = [1, 1]} : vector<3x64xf32> to vector<1x16xf32>
    %reduce_sum3A_164 = vector.shape_cast %slice3A_163 : vector<1x16xf32> to vector<1x1x16xf32>
    %reduce_sum3A_165 = arith.constant dense<0.000000e+00> : vector<1xf32>
    %reduce_sum3A_166 = vector.multi_reduction <add>, %reduce_sum3A_164, %reduce_sum3A_165 [1, 2] : vector<1x1x16xf32> to vector<1xf32>
    %reduce_sum3A_167 = vector.shape_cast %reduce_sum3A_166 : vector<1xf32> to vector<1x1x1xf32>
    %reduce_sum3A_168 = vector.extract %reduce_sum3A_167[0, 0, 0] : f32 from vector<1x1x1xf32>
    %get3A_169 = arith.constant 1 : index
    %get3A_170 = arith.constant 3 : index
    %get3A_171 = memref.load %arg1[%get3A_169, %get3A_170] : memref<3x4xf32, #tpu.memory_space<smem>>
    %add3A_172 = arith.addf %reduce_sum3A_168, %get3A_171 : f32
    %slice3A_173 = vector.extract_strided_slice %reduce_sum3A_3 {offsets = [2, 48], sizes = [1, 16], strides = [1, 1]} : vector<3x64xf32> to vector<1x16xf32>
    %reduce_sum3A_174 = vector.shape_cast %slice3A_173 : vector<1x16xf32> to vector<1x1x16xf32>
    %reduce_sum3A_175 = arith.constant dense<0.000000e+00> : vector<1xf32>
    %reduce_sum3A_176 = vector.multi_reduction <add>, %reduce_sum3A_174, %reduce_sum3A_175 [1, 2] : vector<1x1x16xf32> to vector<1xf32>
    %reduce_sum3A_177 = vector.shape_cast %reduce_sum3A_176 : vector<1xf32> to vector<1x1x1xf32>
    %reduce_sum3A_178 = vector.extract %reduce_sum3A_177[0, 0, 0] : f32 from vector<1x1x1xf32>
    %get3A_179 = arith.constant 2 : index
    %get3A_180 = arith.constant 3 : index
    %get3A_181 = memref.load %arg1[%get3A_179, %get3A_180] : memref<3x4xf32, #tpu.memory_space<smem>>
    %add3A_182 = arith.addf %reduce_sum3A_178, %get3A_181 : f32
    %sub3A_183 = arith.subf %add3A_162, %add3A_172 : f32
    %sub3A_184 = arith.subf %add3A_182, %add3A_172 : f32
    %add3A_185 = arith.addf %sub3A_183, %sub3A_184 : f32
    %add3A_186 = arith.constant 9.99999974E-6 : f32
    %add3A_187 = arith.addf %add3A_185, %add3A_186 : f32
    %div3A_188 = arith.divf %sub3A_183, %add3A_187 : f32
    %jit3A_189 = arith.constant 2.000000e-01 : f32
    %jit3A_190 = arith.constant 8.000000e-01 : f32
    %max3A_191 = arith.maximumf %jit3A_189, %div3A_188 : f32
    %min3A_192 = arith.minimumf %jit3A_190, %max3A_191 : f32
    %sub3A_193 = arith.constant 1.000000e+00 : f32
    %sub3A_194 = arith.subf %sub3A_193, %min3A_192 : f32
    %mul3A_195 = arith.mulf %min3A_192, %sub3A_183 : f32
    %add3A_196 = arith.addf %add3A_172, %mul3A_195 : f32
    %mul3A_197 = arith.mulf %sub3A_194, %sub3A_184 : f32
    %add3A_198 = arith.addf %add3A_196, %mul3A_197 : f32
    %add3A_199 = arith.constant 9.99999974E-6 : f32
    %add3A_200 = arith.addf %add3A_198, %add3A_199 : f32
    %div3A_201 = arith.divf %add3A_172, %add3A_200 : f32
    %sub3A_202 = arith.constant 1.000000e+00 : f32
    %sub3A_203 = arith.subf %sub3A_202, %div3A_201 : f32
    %add3A_204 = arith.addf %add3A_152, %sub3A_203 : f32
    %div3A_205 = arith.constant 4.000000e+00 : f32
    %div3A_206 = arith.divf %add3A_204, %div3A_205 : f32
    %swap3A = arith.constant 0 : index
    %swap3A_207 = arith.constant 0 : index
    %swap3A_208 = memref.load %arg2[%swap3A, %swap3A_207] : memref<1x1xf32, #tpu.memory_space<smem>>
    memref.store %div3A_206, %arg2[%swap3A, %swap3A_207] : memref<1x1xf32, #tpu.memory_space<smem>>
    return
  }
}

</mosaic_0001>

<sc_bundles>
// kernel: kernel.5.cloned.1.call-start
scs
__scs_entry_jumppad:
0x0: {  	(pc) =	sbr.rel $0x88, $3  }
0x1: {  	(tag) =	ssettag $0x0;
	lr =	simm.s32 $0x1  }
0x2: {  	[smem:$0x3F9F] =	sst lr;
	_ =	strace $0xD0000000  }
0x3: {  	_ = 	snop  }
0x4: {  	_ = 	snop  }
0x5: {  	_ = 	snop  }
0x6: {  	_ = 	snop  }
0x7: {  	_ = 	snop  }
__scs_overlays_trampoline_lowered:
0x8: {  	[smem:$0x3FAE] =	sst s0  }
0x9: {  	[smem:$0x3FAF] =	sst s1  }
0xa: {  	[smem:$0x3FB0] =	sst s2  }
0xb: {  	[smem:$0x3FB1] =	sst s3  }
0xc: {  	[smem:$0x3FB2] =	sst s4  }
0xd: {  	[smem:$0x3FB3] =	sst s5  }
0xe: {  	[smem:$0x3FB4] =	sst s6  }
0xf: {  	[smem:$0x3FB5] =	sst s7  }
0x10: {  	[smem:$0x3FB6] =	sst s8  }
0x11: {  	[smem:$0x3FB7] =	sst s9;
	s0 =	simm.s32 @!p0 $0x0  }
0x12: {  	s1 =	sld [smem:$0x3F9D];
	s0 =	simm.s32 @p0 $0x1  }
0x13: {  	[smem:$0x3FB8] =	sst s0;
	s0 =	simm.s32 @!p1 $0x0  }
0x14: {  	s2 =	sld [smem:$0x3F9C];
	s0 =	simm.s32 @p1 $0x1  }
0x15: {  	[smem:$0x3FB9] =	sst s0;
	s0 =	simm.s32 @!p2 $0x0  }
0x16: {  	s3 =	sld [smem:$0x3FDB];
	s0 =	simm.s32 @p2 $0x1  }
0x17: {  	s4 =	simm.s32 $0x1BF5;
	[smem:$0x3FBB] =	sst s0  }
0x18: {  	s0 =	sld [smem:$0x3F9E];
	_ =	swait.ge [sflag:s4], $0x0  }
0x19: {  	s7 =	sld [smem:$0x3F9F]  }
0x1a: {  	s8 =	sadd.s32 $0xFFFFE003, lr  }
0x1b: {  	s9 =	sadd.s32 $0xFFFFFEF7, lr;
	s5 =	simm.s32 $0xFFFFFFFF;
	p2 =	slt.u32 s8, $0xFFFFF086  }
0x1c: {  	p1 =	slt.u32 s9, $0xF7A;
	s5 =	simm.s32 @!p2 $0x0  }
0x1d: {  	s5 =	simm.s32 @p1 $0x1;
	p0 =	seq.s32 s7, s2  }
0x1e: {  	s7 =	smul.u32 @!p0 $0xF7A, s2;
	p2 =	seq.s32 @!p0 s5, $0x0  }
0x1f: {  	s9 =	smul.u32 $0xF7A, s1;
	s8 =	simm.s32 @!p0 $0x1BF5;
	p2 =	por !p2, p0  }
0x20: {  	[sflag:s8] =	ssyncset.s32 @!p0 $0xFFFFF086;
	s6 =	sadd.s32 @!p0 s3, s7;
	s7 =	simm.s32 @!p0 $0x108  }
0x21: {  	s3 =	sadd.s32 s3, s9;
	s6 =	sadd.s32 @!p0 $0x88, s6;
	s7 =	simm.s32 @p2 $0x1082  }
0x22: {  	[simem:s7], [sflag:s8] =	dma.local @!p0 [hbm:s6], $0xF7A  }
0x23: {  	s9 =	sor.u32 $0xD0000000, s2;
	s6 =	simm.s32 $0x108;
	_ =	swait.ge @!p0 [sflag:s8], $0x0  }
0x24: {  	s3 =	sadd.s32 $0x88, s3;
	s6 =	simm.s32 @!p1 $0x1082;
	[sflag:s4] =	ssyncset.s32 $0xFFFFF086  }
0x25: {  	[simem:s6], [sflag:s4] =	dma.local [hbm:s3], $0xF7A  }
0x26: {  	[smem:$0x3F9F] =	sst s1;
	(tag) =	ssettag s2;
	_ =	strace s9  }
0x27: {  	s1 =	sld [smem:$0x3FAF]  }
0x28: {  	s2 =	sld [smem:$0x3FB0]  }
0x29: {  	s4 =	sld [smem:$0x3FB2]  }
0x2a: {  	p0 =	seq.s32 s5, $0x0;
	s5 =	sld [smem:$0x3FB3]  }
0x2b: {  	s6 =	sld [smem:$0x3FB4]  }
0x2c: {  	s7 =	sld [smem:$0x3FB5]  }
0x2d: {  	s3 =	simm.s32 $0x108;
	s8 =	sld [smem:$0x3FB6]  }
0x2e: {  	s3 =	simm.s32 @!p0 $0x1082;
	s9 =	sld [smem:$0x3FB7]  }
0x2f: {  	lr =	sadd.s32 s0, s3;
	s0 =	sld [smem:$0x3FAE]  }
0x30: {  	s3 =	sld [smem:$0x3FB1]  }
0x31: {  	[smem:$0x3FBA] =	sst s10  }
0x32: {  	s10 =	sld [smem:$0x3FB8];
	_ =	sdelay $0x3  }
0x33: {  	p0 =	seq.s32 s10, $0x1;
	s10 =	sld [smem:$0x3FBA];
	_ =	sdelay $0x3  }
0x34: {  	[smem:$0x3FBA] =	sst s10  }
0x35: {  	s10 =	sld [smem:$0x3FB9];
	_ =	sdelay $0x3  }
0x36: {  	p1 =	seq.s32 s10, $0x1;
	s10 =	sld [smem:$0x3FBA];
	_ =	sdelay $0x3  }
0x37: {  	[smem:$0x3FBA] =	sst s10  }
0x38: {  	s10 =	sld [smem:$0x3FBB]  }
0x39: {  	_ = 	snop;
	(pc) =	sbr.ind lr, $3  }
0x3a: {  	_ = 	snop  }
0x3b: {  	_ = 	snop  }
0x3c: {  	p2 =	seq.s32 s10, $0x1;
	s10 =	sld [smem:$0x3FBA]  }
0x3d: {  	_ =	shalt  }
0x3e: {  	_ =	shalt  }
0x3f: {  	_ =	shalt  }
0x40: {  	_ =	shalt  }
0x41: {  	_ =	shalt  }
0x42: {  	_ =	shalt  }
0x43: {  	_ =	shalt  }
0x44: {  	_ =	shalt  }
0x45: {  	_ =	shalt  }
0x46: {  	_ =	shalt  }
0x47: {  	_ =	shalt  }
0x48: {  	_ =	shalt  }
0x49: {  	_ =	shalt  }
0x4a: {  	_ =	shalt  }
0x4b: {  	_ =	shalt  }
0x4c: {  	_ =	shalt  }
0x4d: {  	_ =	shalt  }
0x4e: {  	_ =	shalt  }
0x4f: {  	_ =	shalt  }
0x50: {  	_ =	shalt  }
0x51: {  	_ =	shalt  }
0x52: {  	_ =	shalt  }
0x53: {  	_ =	shalt  }
0x54: {  	_ =	shalt  }
0x55: {  	_ =	shalt  }
0x56: {  	_ =	shalt  }
0x57: {  	_ =	shalt  }
0x58: {  	_ =	shalt  }
0x59: {  	_ =	shalt  }
0x5a: {  	_ =	shalt  }
0x5b: {  	_ =	shalt  }
0x5c: {  	_ =	shalt  }
0x5d: {  	_ =	shalt  }
0x5e: {  	_ =	shalt  }
0x5f: {  	_ =	shalt  }
0x60: {  	_ =	shalt  }
0x61: {  	_ =	shalt  }
0x62: {  	_ =	shalt  }
0x63: {  	_ =	shalt  }
0x64: {  	_ =	shalt  }
0x65: {  	_ =	shalt  }
0x66: {  	_ =	shalt  }
0x67: {  	_ =	shalt  }
0x68: {  	_ =	shalt  }
0x69: {  	_ =	shalt  }
0x6a: {  	_ =	shalt  }
0x6b: {  	_ =	shalt  }
0x6c: {  	_ =	shalt  }
0x6d: {  	_ =	shalt  }
0x6e: {  	_ =	shalt  }
0x6f: {  	_ =	shalt  }
0x70: {  	_ =	shalt  }
0x71: {  	_ =	shalt  }
0x72: {  	_ =	shalt  }
0x73: {  	_ =	shalt  }
0x74: {  	_ =	shalt  }
0x75: {  	_ =	shalt  }
0x76: {  	_ =	shalt  }
0x77: {  	_ =	shalt  }
0x78: {  	_ =	shalt  }
0x79: {  	_ =	shalt  }
0x7a: {  	_ =	shalt  }
0x7b: {  	_ =	shalt  }
0x7c: {  	_ =	shalt  }
0x7d: {  	_ =	shalt  }
0x7e: {  	_ =	shalt  }
0x7f: {  	_ =	shalt  }
0x80: {  	_ =	shalt  }
0x81: {  	_ =	shalt  }
0x82: {  	_ =	shalt  }
0x83: {  	_ =	shalt  }
0x84: {  	_ =	shalt  }
0x85: {  	_ =	shalt  }
0x86: {  	_ =	shalt  }
0x87: {  	_ =	shalt  }
.Lfunc_end0:
.L_simem_size_0:
called_computation_lowered:
.L_overlay_start_0:
0x88: {  	s2 =	sld [smem:$0x3FD9]  }
0x89: {  	s3 =	sld [smem:$0x3FFE];
	_ =	sdelay $0x1  }
0x8a: {  	s1 =	srdreg.scid  }
0x8b: {  	s0 =	sand.u32 $0x1, s1  }
0x8c: {  	s17 =	sshll.u32 s0, $0xA;
	s2 =	sadd.s32 s3, s2  }
0x8d: {  	s2 =	sadd.s32 s2, s17  }
0x8e: {  	[smem:$0x3FC6] =	sst s2  }
0x8f: {  	_ = 	snop  }
0x90: {  	s2 =	sld [smem:$0x3FC9]  }
0x91: {  	s18 =	sld [smem:$0x3FC8];
	(tm) =	ssettm $0x1  }
0x92: {  	s4 =	sld [smem:$0x3FFB];
	_ =	sdelay $0x3  }
0x93: {  	_ =	strace s4  }
0x94: {  	s4 =	sld [smem:$0x3FFC];
	_ =	sdelay $0x3  }
0x95: {  	_ =	strace s4  }
0x96: {  	s4 =	sld [smem:$0x3FFD];
	_ =	sdelay $0x3  }
0x97: {  	_ =	strace s4  }
0x98: {  	_ =	strace $0x8FFFFFFF  }
0x99: {  	s19 =	sld [smem:$0x3FDB];
	_ =	sdelay $0x1  }
0x9a: {  	s5 =	simm.s32 $_scs_section_size  }
0x9b: {  	s6 =	simm.s32 $_size__tile_overlayer_lowered;
	s7 =	simm.s32 $_tile_overlayer_lowered  }
0x9c: {  	s22 =	simm.s32 $0x1BFF;
	s21 =	sshll.u32 s7, $0x1;
	s4 =	sadd.s32 s5, s19  }
0x9d: {  	s8 =	simm.s32 $0x0;
	s20 =	sshll.u32 s6, $0x1;
	s6 =	sadd.s32 s21, s4  }
0x9e: {  	[timem:s8], [sflag:s22] =	dma.local [hbm:s6], s20  }
0x9f: {  	_ =	swait.ge [sflag:s22], s20  }
0xa0: {  	s5 =	ssub.s32 $0x0, s20;
	[sflag:s22] =	ssyncset.done $0x0  }
0xa1: {  	[sflag:s22] =	ssyncadd.s32 s5;
	_ =	sdelay $0x1  }
0xa2: {  	s23 =	simm.s32 $0x1B8B  }
0xa3: {  	_ =	swait.ge [sflag:s23], $0x1  }
0xa4: {  	[sflag:s23] =	ssyncset.done $0x0  }
0xa5: {  	s25 =	simm.s32 $0x1B8E;
	s24 =	sld [smem:$0x3FFE];
	[sflag:s23] =	ssyncadd.s32 $0xFFFFFFFF  }
0xa6: {  	s26 =	simm.s32 $execute0_lowered;
	[smem:$0x3FD2] =	sst s25  }
0xa7: {  	s6 =	sshll.u32 s26, $0x1;
	_ =	strace $0x80000046;
	[dreg:$0x1] =	wrdreg $0xFFFFFFFF  }
0xa8: {  	s28 =	simm.s32 $_size_execute0_lowered;
	s4 =	sadd.s32 s4, s6;
	[dreg:$0x0] =	wrdreg $0x0  }
0xa9: {  	s6 =	sshll.u32 s28, $0x1;
	[dreg:$0x2] =	wrdreg s4  }
0xaa: {  	[dreg:$0x3] =	wrdreg s6  }
0xab: {  	[dreg:$0x4] =	wrdreg $0xC0  }
0xac: {  	_ =	task [dreg:s8], $0x5FFFF  }
0xad: {  	[dreg:$0x1] =	wrdreg $0xFFFFFFFF  }
0xae: {  	[dreg:$0x0] =	wrdreg $0x60  }
0xaf: {  	[dreg:$0x2] =	wrdreg s2  }
0xb0: {  	[dreg:$0x3] =	wrdreg s18  }
0xb1: {  	[dreg:$0x4] =	wrdreg s24  }
0xb2: {  	[dreg:$0x5] =	wrdreg $0x9  }
0xb3: {  	_ =	task.clear_ibuf [dreg:s8], $0x6FFFF;
	_ =	strace $0x90000046  }
0xb4: {  	s29 =	simm.s32 $0x9;
	_ =	strace $0x80000048  }
0xb5: {  	_ =	swait.ge [sflag:s29], $0x1  }
0xb6: {  	[sflag:s29] =	ssyncadd.s32 $0xFFFFFFFF  }
0xb7: {  	_ =	strace $0x90000048  }
0xb8: {  	_ =	sfence  }
0xb9: {  	s30 =	sld [smem:$0x0];
	_ =	sdelay $0x2  }
0xba: {  	s31 =	sshll.u32 s1, $0xD;
	s1 =	sshrl.u32 s1, $0x2  }
0xbb: {  	s3 =	sand.u32 $0x4000, s31;
	s1 =	sadd.s32 s1, s30  }
0xbc: {  	s0 =	sor.u32 s3, s0;
	s1 =	sshll.u32 s1, $0x11  }
0xbd: {  	s0 =	sor.u32 s1, s0  }
0xbe: {  	s0 =	sadd.s32 $0x8F2B, s0  }
0xbf: {  	[sflag:s0] =	ssyncadd.remote.s32 $0x1  }
0xc0: {  	_ =	sfence.sel $0xFFFF  }
0xc1: {  	[dreg:$0x0] =	wrdreg $0xFFFFFFFF;
	(pc) =	sbr.abs _section_cstart, $3  }
0xc2: {  	[dreg:$0x1] =	wrdreg $0xFFFFFFFF  }
0xc3: {  	_ =	task.clear_ibuf [dreg:s8], $0x2FFFF;
	_ =	strace $0x9FFFFFFF  }
0xc4: {  	(tm) =	ssettm $0x7FFFFFFF  }
0xc5: {  	_ =	shalt  }
tec
execute0_lowered:
.L_overlay_start_1:
0x0: {  	(tag) =	ssettag $0x1  }
0x1: {  	s0 =	rddreg [dreg:$0x0]  }
0x2: {  	s1 =	srdreg.scid;
	s3 =	rddreg [dreg:$0x1]  }
0x3: {  	s2 =	rddreg [dreg:$0x2];
	s6 =	stileid.u32;
	s4 =	simm.s32 $0x0  }
0x4: {  	s28 =	simm.s32 $0x10000;
	s29 =	simm.s32 $0x12000;
	s30 =	simm.s32 $0x14000  }
0x5: {  	s31 =	simm.s32 $0x14040;
	s19 =	simm.s32 $0x3;
	s1 =	sand.u32 $0x1, s1  }
0x6: {  	s20 =	simm.s32 $0x0;
	[smem:$0x7FF] =	sst s4;
	s5 =	sshll.u32 s1, $0x4  }
0x7: {  	s7 =	sshll.u32 s6, $0x10;
	s8 =	ssub.s32 $0x2, s1;
	s5 =	sor.u32 s6, s5  }
0x8: {  	_ =	strace $0x80000047;
	s10 =	sshrl.u32 s8, $0x1;
	s5 =	smul.u32 $0x18, s5  }
0x9: {  	s15 =	sor.u32 $0x4000, s7;
	s18 =	sor.u32 $0x2000, s7;
	s8 =	ssub.s32 s8, s10  }
0xa: {  	s17 =	smax.u32 s8, $0x1;
	s2 =	sadd.s32 s5, s2;
	s5 =	sshll.u32 s1, $0x17  }
0xb: {  	s9 =	sor.u32 s7, s5;
	s6 =	sor.u32 $0x200000, s5;
	s10 =	sor.u32 $0x600000, s5  }
0xc: {  	s16 =	sadd.s32 $0x600, s2;
	s9 =	sshrl.u32 s9, $0x3;
	s11 =	sor.u32 s7, s6  }
0xd: {  	s13 =	sor.u32 s7, s10;
	s9 =	sadd.s32 s0, s9;
	s21 =	sshrl.u32 s11, $0x3  }
0xe: {  	s11 =	sshll.u32 s1, $0x15;
	[dreg:$0x4] =	wrdreg s9;
	s9 =	sadd.s32 s0, s21  }
0xf: {  	s23 =	sshrl.u32 s13, $0x3;
	[dreg:$0x5] =	wrdreg s9;
	s9 =	sor.u32 $0x400000, s5  }
0x10: {  	s24 =	sor.u32 s7, s11;
	s25 =	sadd.s32 s0, s23;
	s12 =	sor.u32 s7, s9  }
0x11: {  	s23 =	simm.s32 $0x1;
	[dreg:$0x7] =	wrdreg s25;
	s22 =	sshrl.u32 s12, $0x3  }
0x12: {  	s26 =	sshrl.u32 s24, $0x3;
	s24 =	simm.s32 $0xA000;
	s1 =	sadd.s32 s0, s22  }
0x13: {  	s25 =	simm.s32 $0xC000;
	[dreg:$0x6] =	wrdreg s1;
	s1 =	sadd.s32 s3, s26  }
0x14: {  	v0 =	vlaneseq.u32;
	v1 =	vimm.f32 $1.000000000e+00;
	s26 =	simm.s32 $0xE000;
	[dreg:$0x8] =	wrdreg s1;
	s1 =	simm.s32 $0x2  }
.LBB2_1:
0x15: {  	v2 =	vimm.f32 $0.0e+00  }
0x16: {  	[tilespmem:$0x14000] =	vst v2  }
0x17: {  	[tilespmem:$0x14040] =	vst v2  }
0x18: {  	[tilespmem:$0x14010] =	vst v2  }
0x19: {  	[tilespmem:$0x14050] =	vst v2  }
0x1a: {  	[tilespmem:$0x14020] =	vst v2  }
0x1b: {  	[tilespmem:$0x14060] =	vst v2  }
0x1c: {  	[tilespmem:$0x14030] =	vst v2  }
0x1d: {  	s2 =	rddreg [dreg:$0x4];
	[tilespmem:$0x14070] =	vst v2  }
0x1e: {  	[tilespmem:s4], [sflag:$0x1] =	stream.linear.gather [hbm4b:s2+s4], $0x2000, $0x38;
	[tilespmem:$0x14140] =	vst v63  }
0x1f: {  	s22 =	rddreg [dreg:$0x5];
	s7 =	simm.s32 $0x2000  }
0x20: {  	[tilespmem:s7], [sflag:$0x1] =	stream.linear.gather [hbm4b:s22+s4], $0x2000, $0x38;
	[tilespmem:$0x14140] =	vst v63  }
0x21: {  	s8 =	rddreg [dreg:$0x6];
	s12 =	simm.s32 $0x4000  }
0x22: {  	[tilespmem:s12], [sflag:$0x1] =	stream.linear.gather [hbm4b:s8+s4], $0x2000, $0x38;
	[tilespmem:$0x14140] =	vst v63  }
0x23: {  	s13 =	rddreg [dreg:$0x7];
	s14 =	simm.s32 $0x6000  }
0x24: {  	[tilespmem:s14], [sflag:$0x1] =	stream.linear.gather [hbm4b:s13+s4], $0x2000, $0x38;
	[tilespmem:$0x14140] =	vst v63  }
0x25: {  	s21 =	rddreg [dreg:$0x8];
	s22 =	simm.s32 $0x8000  }
0x26: {  	[tilespmem:s22], [sflag:$0x1] =	stream.linear.gather [hbm4b:s21+s4], $0x2000, $0x38;
	[tilespmem:$0x14140] =	vst v63  }
0x27: {  	v3 =	vimm.f32 $0.0e+00;
	v4 =	vimm.f32 $0.0e+00;
	v5 =	vimm.f32 $0.0e+00;
	s21 =	simm.s32 $0x0  }
.LBB2_2:
0x28: {  	_ =	swait.ge [sflag:s23], $0x2000  }
0x29: {  	[sflag:s23] =	ssyncset.done $0x0  }
0x2a: {  	[sflag:s23] =	ssyncadd.s32 $0xFFFFE000  }
0x2b: {  	_ =	swait.ge [sflag:s23], $0x2000  }
0x2c: {  	[sflag:s23] =	ssyncset.done $0x0  }
0x2d: {  	[sflag:s23] =	ssyncadd.s32 $0xFFFFE000  }
0x2e: {  	_ =	swait.ge [sflag:s23], $0x2000  }
0x2f: {  	[sflag:s23] =	ssyncset.done $0x0  }
0x30: {  	[sflag:s23] =	ssyncadd.s32 $0xFFFFE000  }
0x31: {  	_ =	swait.ge [sflag:s23], $0x2000  }
0x32: {  	s22 =	sshll.u32 s21, $0xE;
	[sflag:s23] =	ssyncset.done $0x0  }
0x33: {  	s2 =	sor.u32 s18, s22;
	[sflag:s23] =	ssyncadd.s32 $0xFFFFE000  }
0x34: {  	s7 =	sor.u32 s5, s2;
	_ =	swait.ge [sflag:s23], $0x2000  }
0x35: {  	s7 =	sshrl.u32 s7, $0x3;
	[sflag:s23] =	ssyncset.done $0x0  }
0x36: {  	s14 =	sor.u32 s6, s2;
	s7 =	sadd.s32 s0, s7;
	[sflag:s23] =	ssyncadd.s32 $0xFFFFE000  }
0x37: {  	[tilespmem:s24], [sflag:$0x2] =	stream.linear.gather [hbm4b:s7+s4], $0x2000, $0x38;
	[tilespmem:$0x14140] =	vst v63  }
0x38: {  	s7 =	sshrl.u32 s14, $0x3  }
0x39: {  	s8 =	sor.u32 s9, s2;
	s7 =	sadd.s32 s0, s7  }
0x3a: {  	[tilespmem:s25], [sflag:$0x2] =	stream.linear.gather [hbm4b:s7+s4], $0x2000, $0x38;
	[tilespmem:$0x14140] =	vst v63  }
0x3b: {  	s7 =	sshrl.u32 s8, $0x3  }
0x3c: {  	s12 =	sor.u32 s10, s2;
	s7 =	sadd.s32 s0, s7  }
0x3d: {  	[tilespmem:s26], [sflag:$0x2] =	stream.linear.gather [hbm4b:s7+s4], $0x2000, $0x38;
	[tilespmem:$0x14140] =	vst v63  }
0x3e: {  	s2 =	sor.u32 s11, s2;
	s7 =	sshrl.u32 s12, $0x3  }
0x3f: {  	s2 =	sshrl.u32 s2, $0x3;
	s7 =	sadd.s32 s0, s7  }
0x40: {  	[tilespmem:s28], [sflag:$0x2] =	stream.linear.gather [hbm4b:s7+s4], $0x2000, $0x38;
	[tilespmem:$0x14140] =	vst v63  }
0x41: {  	s13 =	simm.s32 $0x20;
	s2 =	sadd.s32 s3, s2  }
0x42: {  	[tilespmem:s29], [sflag:$0x2] =	stream.linear.gather [hbm4b:s2+s4], $0x2000, $0x38;
	[tilespmem:$0x14140] =	vst v63  }
0x43: {  	s14 =	simm.s32 $0x2020;
	v6 =	vld [tilespmem:s13+$0x0]  }
0x44: {  	s8 =	simm.s32 $0x4020;
	v7 =	vld [tilespmem:s14+$0x0]  }
0x45: {  	s12 =	simm.s32 $0x6020;
	v8 =	vld [tilespmem:s8+$0x0]  }
0x46: {  	v9 =	vld [tilespmem:s12+$0x0]  }
0x47: {  	v10 =	vld [tilespmem:s13+$0x10]  }
0x48: {  	v11 =	vld [tilespmem:s14+$0x10];
	v6 =	vmul.f32 $1.442695020e+00, v6  }
0x49: {  	v12 =	vld [tilespmem:s8+$0x10];
	v7 =	vmul.f32 $1.442695020e+00, v7  }
0x4a: {  	(erf) = vpow2.f32 v6;
	v6 =	vld [tilespmem:s12+$0x10]  }
0x4b: {  	v8 =	vmul.f32 $1.442695020e+00, v8;
	(erf) = vpow2.f32 v7;
	v7 =	vld [tilespmem:s13+$0xFFFFFFF0]  }
0x4c: {  	v13 =	vld [tilespmem:s14+$0xFFFFFFF0];
	v9 =	vmul.f32 $1.442695020e+00, v9;
	v10 =	vmul.f32 $1.442695020e+00, v10  }
0x4d: {  	v11 =	vmul.f32 $1.442695020e+00, v11;
	(erf) = vpow2.f32 v8;
	v8 =	vld [tilespmem:s8+$0xFFFFFFF0]  }
0x4e: {  	v12 =	vmul.f32 $1.442695020e+00, v12;
	(erf) = vpow2.f32 v9;
	v9 =	vld [tilespmem:s12+$0xFFFFFFF0]  }
0x4f: {  	(erf) = vpow2.f32 v10;
	v6 =	vmul.f32 $1.442695020e+00, v6  }
0x50: {  	v10 =	vld [tilespmem:s13+$0xFFFFFFE0];
	(erf) = vpow2.f32 v11;
	v7 =	vmul.f32 $1.442695020e+00, v7  }
0x51: {  	v11 =	vld [tilespmem:s14+$0xFFFFFFE0];
	(erf) = vpow2.f32 v12;
	v12 =	vmul.f32 $1.442695020e+00, v13  }
0x52: {  	(erf) = vpow2.f32 v6;
	v6 =	vld [tilespmem:s8+$0xFFFFFFE0];
	v8 =	vmul.f32 $1.442695020e+00, v8  }
0x53: {  	(erf) = vpow2.f32 v7;
	v7 =	vld [tilespmem:s12+$0xFFFFFFE0];
	v9 =	vmul.f32 $1.442695020e+00, v9  }
0x54: {  	v13 =	vpop (erf);
	(erf) = vpow2.f32 v12  }
0x55: {  	v10 =	vmul.f32 $1.442695020e+00, v10;
	v12 =	vpop (erf);
	(erf) = vpow2.f32 v8  }
0x56: {  	s2 =	simm.s32 $0x2060;
	v8 =	vmul.f32 $1.442695020e+00, v11;
	v14 =	vpop (erf);
	(erf) = vpow2.f32 v9  }
0x57: {  	s7 =	simm.s32 $0x4060;
	v33 =	vld [tilespmem:s2+$0x10];
	v9 =	vpop (erf);
	v6 =	vmul.f32 $1.442695020e+00, v6;
	(erf) = vpow2.f32 v10  }
0x58: {  	v61 =	vld [tilespmem:s7+$0xFFFFFFE0];
	s13 =	simm.s32 $0x8020;
	v16 =	vpop (erf);
	v10 =	vmul.f32 $1.442695020e+00, v7;
	(erf) = vpow2.f32 v8  }
0x59: {  	v15 =	vld [tilespmem:s13+$0xFFFFFFE0];
	s14 =	simm.s32 $0x60;
	v18 =	vpop (erf);
	(erf) = vpow2.f32 v6  }
0x5a: {  	v8 =	vld [tilespmem:s14+$0x0];
	v19 =	vpop (erf);
	(erf) = vpow2.f32 v10  }
0x5b: {  	v10 =	vld [tilespmem:s2+$0x0];
	v24 =	vpop (erf)  }
0x5c: {  	v17 =	vld [tilespmem:s13+$0xFFFFFFF0];
	v22 =	vpop (erf)  }
0x5d: {  	v25 =	vld [tilespmem:s14+$0x10];
	v27 =	vpop (erf)  }
0x5e: {  	v33 =	vmul.f32 $1.442695020e+00, v33;
	v57 =	vld [tilespmem:s14+$0xFFFFFFE0];
	v21 =	vadd.f32 v12, v13;
	v29 =	vpop (erf)  }
0x5f: {  	s8 =	simm.s32 $0x6060;
	v11 =	vld [tilespmem:s7+$0x0];
	v23 =	vadd.f32 v9, v14;
	v31 =	vadd.f32 v24, v19;
	v8 =	vmul.f32 $1.442695020e+00, v8;
	v30 =	vpop (erf)  }
0x60: {  	v63 =	vmul.f32 $1.442695020e+00, v61;
	v20 =	vld [tilespmem:s8+$0x0];
	v10 =	vmul.f32 $1.442695020e+00, v10;
	v28 =	vpop (erf)  }
0x61: {  	v35 =	vld [tilespmem:s8+$0x10];
	v26 =	vadd.f32 v18, v16;
	v21 =	vadd.f32 v23, v21;
	(erf) = vpow2.f32 v8;
	v32 =	vpop (erf)  }
0x62: {  	v7 =	vld [tilespmem:s13+$0x0];
	v8 =	vadd.f32 v27, v22;
	(erf) = vpow2.f32 v10;
	v10 =	vadd.f32 v30, v29;
	v34 =	vpop (erf)  }
0x63: {  	v23 =	vld [tilespmem:s7+$0x10];
	v26 =	vadd.f32 v31, v26;
	v36 =	vadd.f32 v32, v28;
	(erf) = vrcp.f32 v21;
	v31 =	vpop (erf)  }
0x64: {  	v11 =	vmul.f32 $1.442695020e+00, v11;
	v8 =	vadd.f32 v10, v8;
	v10 =	vld [tilespmem:s2+$0xFFFFFFF0];
	v37 =	vadd.f32 v31, v34  }
0x65: {  	vm0 =	veq.s32 v15, $0x0;
	v25 =	vmul.f32 $1.442695020e+00, v25;
	(erf) = vrcp.f32 v26;
	v26 =	vld [tilespmem:s7+$0xFFFFFFF0]  }
0x66: {  	v20 =	vmul.f32 $1.442695020e+00, v20;
	v21 =	vld [tilespmem:s14+$0xFFFFFFF0];
	(erf) = vpow2.f32 v11;
	v11 =	vadd.f32 v37, v36  }
0x67: {  	vm2 =	veq.s32 v17, $0x0;
	v35 =	vmul.f32 $1.442695020e+00, v35;
	(erf) = vrcp.f32 v8;
	v8 =	vld [tilespmem:s8+$0xFFFFFFF0]  }
0x68: {  	vm7 =	veq.s32 v15, $0x1;
	v23 =	vmul.f32 $1.442695020e+00, v23;
	(erf) = vrcp.f32 v11  }
0x69: {  	vm4 =	veq.s32 v17, $0x1;
	v36 =	vmul.f32 $1.442695020e+00, v57;
	v58 =	vmul.f32 $1.442695020e+00, v10  }
0x6a: {  	vm11 =	veq.s32 v15, $0x2;
	v6 =	vld [tilespmem:s13+$0x10];
	v59 =	vmul.f32 $1.442695020e+00, v26;
	(erf) = vpow2.f32 v20;
	v10 =	vpop (erf)  }
0x6b: {  	vm10 =	veq.s32 v17, $0x2;
	v20 =	vmul.f32 $1.442695020e+00, v21;
	(erf) = vpow2.f32 v25;
	v11 =	vpop (erf)  }
0x6c: {  	vm1 =	veq.s32 v7, $0x0;
	v38 =	vmul.f32 $1.442695020e+00, v8;
	(erf) = vpow2.f32 v33;
	v60 =	vpop (erf)  }
0x6d: {  	vm5 =	veq.s32 v7, $0x1;
	(erf) = vpow2.f32 v23;
	v21 =	vmul.f32 v60, v13  }
0x6e: {  	vm9 =	veq.s32 v7, $0x2;
	v39 =	vpop (erf);
	v25 =	vmul.f32 v60, v12;
	(erf) = vpow2.f32 v35  }
0x6f: {  	vm3 =	veq.s32 v6, $0x0;
	v8 =	vpop (erf);
	v23 =	vmul.f32 v39, v18;
	v35 =	vmul.f32 v60, v9  }
0x70: {  	vm6 =	veq.s32 v6, $0x1;
	v40 =	vmul.f32 v39, v19;
	(erf) = vpow2.f32 v20;
	v12 =	vpop (erf)  }
0x71: {  	v13 =	vshll.u32 v15, $0x4;
	v20 =	vmul.f32 v39, v16;
	v39 =	vmul.f32 v39, v24;
	v16 =	vpop (erf)  }
0x72: {  	v41 =	vld [tilespmem:s8+$0xFFFFFFE0];
	v26 =	vmul.f32 v12, v22;
	v22 =	vor.u32 v0, v13;
	v13 =	vmul.f32 v16, v34  }
0x73: {  	vm8 =	veq.s32 v6, $0x2;
	v27 =	vmul.f32 v12, v27;
	v29 =	vmul.f32 v12, v29  }
0x74: {  	v30 =	vmul.f32 v12, v30;
	v32 =	vmul.f32 v16, v32;
	v3 =	vadd.f32 v13, v3  }
0x75: {  	v15 =	vshll.u32 v17, $0x4;
	v28 =	vmul.f32 v16, v28;
	v17 =	vmul.f32 v16, v31  }
0x76: {  	v31 =	vmul.f32 v60, v14;
	v14 =	vld [tilespmem:s2+$0xFFFFFFE0];
	v4 =	vadd.f32 v32, v4;
	v3 =	vadd.f32 v29, v3  }
0x77: {  	v16 =	vor.u32 v0, v15;
	v12 =	vpop (erf);
	(erf) = vpow2.f32 v58;
	v34 =	vmul.f32 $1.442695020e+00, v41  }
0x78: {  	v15 =	vpop (erf);
	(erf) = vpow2.f32 v59;
	v4 =	vadd.f32 v27, v4;
	v9 =	vadd.f32 v31, v3  }
0x79: {  	v5 =	vadd.f32 v28, v5;
	v2 =	vadd.f32 v17, v2;
	v62 =	vsel vm11, v13, v17  }
0x7a: {  	v33 =	vsel vm7, v32, v62;
	v32 =	vsel vm8, v40, v39;
	v4 =	vadd.f32 v25, v4  }
0x7b: {  	s12 =	simm.s32 $0x8060;
	v5 =	vadd.f32 v26, v5;
	v2 =	vadd.f32 v30, v2;
	v24 =	vmul.f32 $1.442695020e+00, v14  }
0x7c: {  	v18 =	vld [tilespmem:s12+$0xFFFFFFE0];
	v3 =	vadd.f32 v23, v4;
	v4 =	vadd.f32 v40, v9;
	v9 =	vpop (erf);
	(erf) = vpow2.f32 v38  }
0x7d: {  	v19 =	vld [tilespmem:s12+$0xFFFFFFF0];
	v5 =	vadd.f32 v21, v5;
	v2 =	vadd.f32 v35, v2;
	v14 =	vpop (erf);
	(erf) = vpow2.f32 v36  }
0x7e: {  	v30 =	vsel vm10, v29, v30;
	v29 =	vld [tilespmem:s12+$0x0];
	v31 =	vsel vm9, v31, v35;
	v13 =	vpop (erf);
	(erf) = vpow2.f32 v24  }
0x7f: {  	s13 =	simm.s32 $0x40;
	s14 =	simm.s32 $0xA0;
	v5 =	vadd.f32 v20, v5;
	v2 =	vadd.f32 v39, v2;
	v24 =	vld [tilespmem:s12+$0x10];
	v17 =	vpop (erf);
	(erf) = vpow2.f32 v63  }
.LBB2_3:
0x80: {  	v35 =	vld [tilespmem:s14+$0x0];
	s2 =	sadd.s32 $0x40, s2;
	(erf) = vpow2.f32 v34;
	v27 =	vsel vm4, v27, v30;
	v25 =	vsel vm5, v25, v31  }
0x81: {  	s7 =	sadd.s32 $0x40, s7;
	v28 =	vsel vm0, v28, v33;
	v23 =	vsel vm6, v23, v32;
	v30 =	vld [tilespmem:s2+$0x0];
	v26 =	vsel vm2, v26, v27  }
0x82: {  	v21 =	vsel vm1, v21, v25;
	v20 =	vsel vm3, v20, v23;
	v27 =	vld [tilespmem:s7+$0x0]  }
0x83: {  	vm0 =	veq.s32 v18, $0x0;
	vm2 =	veq.s32 v19, $0x0;
	v31 =	vpop (erf);
	[tilespmem:v22+s30+$0x0] =	vst.idx.add.f32.msk $0xffff, v28  }
0x84: {  	v7 =	vshll.u32 v7, $0x4;
	vm1 =	veq.s32 v29, $0x0;
	vm3 =	veq.s32 v24, $0x0;
	v32 =	vpop (erf);
	[tilespmem:v22+s31+$0x0] =	vst.idx.add.f32.msk $0xffff, v1  }
0x85: {  	s8 =	sadd.s32 $0x40, s8;
	vm7 =	veq.s32 v18, $0x1;
	v23 =	vor.u32 v0, v7;
	v22 =	vmul.f32 $1.442695020e+00, v35;
	v33 =	vpop (erf);
	[tilespmem:v16+s30+$0x0] =	vst.idx.add.f32.msk $0xffff, v26  }
0x86: {  	v28 =	vadd.f32 v12, v8;
	v26 =	vadd.f32 v11, v10;
	v25 =	vld [tilespmem:s8+$0x0];
	v7 =	vmul.f32 $1.442695020e+00, v30;
	v30 =	vpop (erf)  }
0x87: {  	v41 =	vadd.f32 v13, v14;
	v35 =	vadd.f32 v9, v15;
	v27 =	vmul.f32 $1.442695020e+00, v27;
	v34 =	vld [tilespmem:s14+$0x10];
	v37 =	vpop (erf)  }
0x88: {  	v26 =	vadd.f32 v28, v26;
	v38 =	vld [tilespmem:s2+$0x10];
	(erf) = vpow2.f32 v22;
	v22 =	vadd.f32 v31, v17;
	v39 =	vpop (erf)  }
0x89: {  	v40 =	vadd.f32 v33, v32;
	v35 =	vadd.f32 v41, v35;
	v28 =	vld [tilespmem:s7+$0x10];
	(erf) = vpow2.f32 v7;
	v36 =	vpop (erf)  }
0x8a: {  	v42 =	vadd.f32 v37, v30;
	v41 =	vld [tilespmem:s8+$0x10];
	v43 =	vadd.f32 v36, v39;
	(erf) = vrcp.f32 v26;
	v7 =	vmovc v29  }
0x8b: {  	v22 =	vadd.f32 v40, v22;
	v26 =	vld [tilespmem:s14+$0xFFFFFFF0];
	v25 =	vmul.f32 $1.442695020e+00, v25;
	(erf) = vrcp.f32 v35  }
0x8c: {  	v29 =	vld [tilespmem:s2+$0xFFFFFFF0];
	v34 =	vmul.f32 $1.442695020e+00, v34;
	(erf) = vpow2.f32 v27;
	v27 =	vadd.f32 v43, v42  }
0x8d: {  	v35 =	vld [tilespmem:s7+$0xFFFFFFF0];
	v38 =	vmul.f32 $1.442695020e+00, v38;
	(erf) = vrcp.f32 v22;
	v22 =	vshll.u32 v6, $0x4;
	v6 =	vmovc v24  }
0x8e: {  	v24 =	vld [tilespmem:s8+$0xFFFFFFF0];
	v28 =	vmul.f32 $1.442695020e+00, v28;
	(erf) = vrcp.f32 v27;
	v22 =	vor.u32 v0, v22  }
0x8f: {  	vm4 =	veq.s32 v19, $0x1;
	v27 =	vld [tilespmem:s14+$0xFFFFFFE0];
	v40 =	vmul.f32 $1.442695020e+00, v41;
	(erf) = vpow2.f32 v25  }
0x90: {  	vm5 =	veq.s32 v7, $0x1;
	v25 =	vmul.f32 $1.442695020e+00, v26;
	(erf) = vpow2.f32 v34;
	[tilespmem:v16+s31+$0x0] =	vst.idx.add.f32.msk $0xffff, v1  }
0x91: {  	vm6 =	veq.s32 v6, $0x1;
	v29 =	vmul.f32 $1.442695020e+00, v29;
	v34 =	vpop (erf);
	(erf) = vpow2.f32 v38;
	[tilespmem:v23+s30+$0x0] =	vst.idx.add.f32.msk $0xffff, v21  }
0x92: {  	vm8 =	veq.s32 v18, $0x2;
	v35 =	vmul.f32 $1.442695020e+00, v35;
	v38 =	vpop (erf);
	(erf) = vpow2.f32 v28;
	[tilespmem:v23+s31+$0x0] =	vst.idx.add.f32.msk $0xffff, v1  }
0x93: {  	vm9 =	veq.s32 v19, $0x2;
	v24 =	vmul.f32 $1.442695020e+00, v24;
	(erf) = vpow2.f32 v40;
	v40 =	vpop (erf);
	[tilespmem:v22+s30+$0x0] =	vst.idx.add.f32.msk $0xffff, v20  }
0x94: {  	vm10 =	veq.s32 v7, $0x2;
	v41 =	vmul.f32 $1.442695020e+00, v27;
	(erf) = vpow2.f32 v25;
	v42 =	vpop (erf);
	[tilespmem:v22+s31+$0x0] =	vst.idx.add.f32.msk $0xffff, v1  }
0x95: {  	vm11 =	veq.s32 v6, $0x2;
	v21 =	vmul.f32 v40, v10;
	v43 =	vpop (erf);
	v20 =	vmul.f32 v42, v15  }
0x96: {  	v10 =	vshll.u32 v18, $0x4;
	v25 =	vmul.f32 v40, v11;
	v23 =	vmul.f32 v42, v9;
	v11 =	vpop (erf)  }
0x97: {  	v9 =	vshll.u32 v19, $0x4;
	v26 =	vmul.f32 v11, v17;
	v27 =	vmul.f32 v11, v31;
	v16 =	vpop (erf)  }
0x98: {  	v22 =	vor.u32 v0, v10;
	v18 =	vpop (erf);
	v28 =	vmul.f32 v16, v30;
	v37 =	vmul.f32 v16, v37  }
0x99: {  	v19 =	vmul.f32 v16, v39;
	v30 =	vmul.f32 v16, v36;
	v16 =	vor.u32 v0, v9;
	v15 =	vpop (erf)  }
0x9a: {  	v31 =	vmul.f32 v11, v32;
	v9 =	vpop (erf);
	v5 =	vadd.f32 v28, v5;
	v3 =	vadd.f32 v37, v3  }
0x9b: {  	v33 =	vmul.f32 v11, v33;
	v4 =	vadd.f32 v19, v4;
	v2 =	vadd.f32 v30, v2;
	v32 =	vpop (erf)  }
0x9c: {  	v39 =	vmul.f32 v40, v8;
	v36 =	vpop (erf);
	v5 =	vadd.f32 v26, v5;
	v3 =	vadd.f32 v27, v3  }
0x9d: {  	v40 =	vmul.f32 v40, v12;
	v4 =	vadd.f32 v31, v4;
	v2 =	vadd.f32 v33, v2;
	v44 =	vld [tilespmem:s2+$0xFFFFFFE0];
	v17 =	vpop (erf)  }
0x9e: {  	v46 =	vmul.f32 v42, v14;
	v10 =	vmovc v34;
	v45 =	vld [tilespmem:s7+$0xFFFFFFE0];
	v5 =	vadd.f32 v21, v5;
	v3 =	vadd.f32 v25, v3  }
0x9f: {  	s13 =	sadd.s32 $0x40, s13;
	v42 =	vmul.f32 v42, v13;
	v11 =	vmovc v38;
	v4 =	vadd.f32 v39, v4;
	v2 =	vadd.f32 v40, v2;
	v34 =	vld [tilespmem:s8+$0xFFFFFFE0]  }
0xa0: {  	p0 =	slt.u32 s13, $0x1FC0;
	v8 =	vmovc v43;
	v12 =	vmovc v18;
	(erf) = vpow2.f32 v29;
	v5 =	vadd.f32 v20, v5;
	v3 =	vadd.f32 v23, v3  }
.Ltmp0:
0xa1: {  	s12 =	sadd.s32 $0x40, s12;
	v14 =	vmovc v32;
	v13 =	vmovc v36;
	v4 =	vadd.f32 v46, v4;
	v2 =	vadd.f32 v42, v2;
	(erf) = vpow2.f32 v35;
	(pc) =	sbr.rel @p0 .LBB2_3-.Ltmp0, $4  }
0xa2: {  	v35 =	vsel vm8, v19, v30;
	v18 =	vld [tilespmem:s12+$0xFFFFFFE0];
	v32 =	vmul.f32 $1.442695020e+00, v44;
	(erf) = vpow2.f32 v24  }
0xa3: {  	v30 =	vsel vm9, v31, v33;
	v36 =	vmul.f32 $1.442695020e+00, v45;
	v19 =	vld [tilespmem:s12+$0xFFFFFFF0];
	(erf) = vpow2.f32 v41  }
0xa4: {  	v31 =	vsel vm10, v39, v40;
	v34 =	vmul.f32 $1.442695020e+00, v34;
	v29 =	vld [tilespmem:s12+$0x0];
	(erf) = vpow2.f32 v32  }
0xa5: {  	s14 =	sadd.s32 $0x40, s14;
	v33 =	vsel vm7, v37, v35;
	v32 =	vsel vm11, v46, v42;
	v24 =	vld [tilespmem:s12+$0x10];
	(erf) = vpow2.f32 v36  }
0xa6: {  	(erf) = vpow2.f32 v34;
	_ =	sdelay $0x2  }
0xa7: {  	v60 =	vpop (erf)  }
0xa8: {  	v37 =	vadd.f32 v11, v10;
	v38 =	vadd.f32 v12, v8;
	v35 =	vpop (erf)  }
0xa9: {  	v40 =	vadd.f32 v9, v15;
	v36 =	vpop (erf)  }
0xaa: {  	v41 =	vadd.f32 v13, v14;
	v37 =	vadd.f32 v38, v37;
	v39 =	vpop (erf)  }
0xab: {  	v43 =	vadd.f32 v60, v17;
	v44 =	vadd.f32 v36, v35;
	v42 =	vpop (erf)  }
0xac: {  	v40 =	vadd.f32 v41, v40;
	v61 =	vpop (erf)  }
0xad: {  	v63 =	vadd.f32 v44, v43;
	v62 =	vpop (erf);
	(erf) = vrcp.f32 v37  }
0xae: {  	v45 =	vadd.f32 v42, v39;
	v46 =	vadd.f32 v62, v61;
	(erf) = vrcp.f32 v40  }
0xaf: {  	(erf) = vrcp.f32 v63  }
0xb0: {  	v44 =	vadd.f32 v46, v45  }
0xb1: {  	v27 =	vsel vm4, v27, v30  }
0xb2: {  	v25 =	vsel vm5, v25, v31;
	v7 =	vshll.u32 v7, $0x4;
	(erf) = vrcp.f32 v44  }
0xb3: {  	v28 =	vsel vm0, v28, v33;
	v21 =	vsel vm1, v21, v25;
	v25 =	vor.u32 v0, v7  }
0xb4: {  	v23 =	vsel vm6, v23, v32;
	v6 =	vshll.u32 v6, $0x4;
	v26 =	vsel vm2, v26, v27;
	[tilespmem:v22+s30+$0x0] =	vst.idx.add.f32.msk $0xffff, v28  }
0xb5: {  	v20 =	vsel vm3, v20, v23;
	vm2 =	veq.s32 v18, $0x0;
	v27 =	vor.u32 v0, v6;
	[tilespmem:v22+s31+$0x0] =	vst.idx.add.f32.msk $0xffff, v1  }
0xb6: {  	vm4 =	veq.s32 v18, $0x1;
	vm5 =	veq.s32 v18, $0x2;
	v18 =	vshll.u32 v18, $0x4;
	[tilespmem:v16+s30+$0x0] =	vst.idx.add.f32.msk $0xffff, v26;
	v28 =	vpop (erf)  }
0xb7: {  	vm1 =	veq.s32 v19, $0x0;
	vm3 =	veq.s32 v19, $0x1;
	[tilespmem:v16+s31+$0x0] =	vst.idx.add.f32.msk $0xffff, v1;
	v26 =	vpop (erf);
	v7 =	vmul.f32 v28, v10  }
0xb8: {  	vm6 =	veq.s32 v19, $0x2;
	[tilespmem:v25+s30+$0x0] =	vst.idx.add.f32.msk $0xffff, v21;
	v10 =	vmul.f32 v28, v11;
	v6 =	vmul.f32 v26, v15;
	v15 =	vpop (erf)  }
0xb9: {  	v19 =	vshll.u32 v19, $0x4;
	[tilespmem:v25+s31+$0x0] =	vst.idx.add.f32.msk $0xffff, v1;
	v12 =	vmul.f32 v28, v12;
	v16 =	vmul.f32 v15, v17  }
0xba: {  	v25 =	vor.u32 v0, v18;
	v17 =	vmul.f32 v15, v60;
	v18 =	vmul.f32 v15, v35  }
0xbb: {  	v30 =	vor.u32 v0, v19;
	v19 =	vmul.f32 v15, v36;
	v15 =	vmul.f32 v28, v8;
	v11 =	vpop (erf)  }
0xbc: {  	[tilespmem:v27+s30+$0x0] =	vst.idx.add.f32.msk $0xffff, v20;
	v21 =	vmul.f32 v11, v61;
	v20 =	vmul.f32 v11, v62  }
0xbd: {  	vm0 =	veq.s32 v29, $0x0;
	[tilespmem:v27+s31+$0x0] =	vst.idx.add.f32.msk $0xffff, v1;
	v8 =	vmul.f32 v26, v14;
	v22 =	vmul.f32 v11, v42  }
0xbe: {  	v27 =	vsel vm6, v18, v19;
	v23 =	vmul.f32 v11, v39;
	v14 =	vsel vm5, v21, v20  }
0xbf: {  	v11 =	vmul.f32 v26, v13;
	v13 =	vsel vm4, v22, v14;
	v14 =	vshll.u32 v29, $0x4  }
0xc0: {  	v27 =	vsel vm3, v17, v27;
	v13 =	vsel vm2, v23, v13;
	v14 =	vor.u32 v0, v14  }
0xc1: {  	vm7 =	veq.s32 v29, $0x2;
	v27 =	vsel vm1, v16, v27;
	[tilespmem:v25+s30+$0x0] =	vst.idx.add.f32.msk $0xffff, v13;
	v13 =	vshll.u32 v24, $0x4  }
0xc2: {  	v28 =	vsel vm7, v15, v12;
	[tilespmem:v30+s30+$0x0] =	vst.idx.add.f32.msk $0xffff, v27;
	vm2 =	veq.s32 v29, $0x1;
	v13 =	vor.u32 v0, v13  }
0xc3: {  	v9 =	vmul.f32 v26, v9;
	vm1 =	veq.s32 v24, $0x2;
	[tilespmem:v25+s31+$0x0] =	vst.idx.add.f32.msk $0xffff, v1;
	v25 =	vsel vm2, v10, v28  }
0xc4: {  	v26 =	vsel vm1, v8, v11;
	[tilespmem:v30+s31+$0x0] =	vst.idx.add.f32.msk $0xffff, v1;
	vm2 =	veq.s32 v24, $0x1;
	v25 =	vsel vm0, v7, v25  }
0xc5: {  	vm0 =	veq.s32 v24, $0x0;
	v24 =	vsel vm2, v9, v26;
	[tilespmem:v14+s30+$0x0] =	vst.idx.add.f32.msk $0xffff, v25  }
0xc6: {  	v24 =	vsel vm0, v6, v24;
	[tilespmem:v14+s31+$0x0] =	vst.idx.add.f32.msk $0xffff, v1  }
0xc7: {  	[tilespmem:v13+s30+$0x0] =	vst.idx.add.f32.msk $0xffff, v24  }
0xc8: {  	[tilespmem:v13+s31+$0x0] =	vst.idx.add.f32.msk $0xffff, v1  }
0xc9: {  	_ =	swait.ge [sflag:s1], $0x2000  }
0xca: {  	[sflag:s1] =	ssyncset.done $0x0  }
0xcb: {  	[sflag:s1] =	ssyncadd.s32 $0xFFFFE000  }
0xcc: {  	_ =	swait.ge [sflag:s1], $0x2000  }
0xcd: {  	[sflag:s1] =	ssyncset.done $0x0  }
0xce: {  	[sflag:s1] =	ssyncadd.s32 $0xFFFFE000  }
0xcf: {  	_ =	swait.ge [sflag:s1], $0x2000  }
0xd0: {  	[sflag:s1] =	ssyncset.done $0x0  }
0xd1: {  	[sflag:s1] =	ssyncadd.s32 $0xFFFFE000  }
0xd2: {  	_ =	swait.ge [sflag:s1], $0x2000  }
0xd3: {  	p0 =	seq.s32 s21, $0x3;
	[sflag:s1] =	ssyncset.done $0x0  }
0xd4: {  	s2 =	sadd.s32 @!p0 s22, s15;
	[sflag:s1] =	ssyncadd.s32 $0xFFFFE000  }
0xd5: {  	s7 =	sor.u32 @!p0 s5, s2;
	_ =	swait.ge [sflag:s1], $0x2000  }
0xd6: {  	s7 =	sshrl.u32 @!p0 s7, $0x3;
	[sflag:s1] =	ssyncset.done $0x0  }
0xd7: {  	s8 =	simm.s32 @!p0 $0x0;
	s7 =	sadd.s32 @!p0 s0, s7;
	[sflag:s1] =	ssyncadd.s32 $0xFFFFE000  }
0xd8: {  	[tilespmem:s8], [sflag:$0x1] =	stream.linear.gather @!p0 [hbm4b:s7+s8], $0x2000, $0x38;
	[tilespmem:$0x14140] =	vst v63  }
0xd9: {  	s7 =	sor.u32 @!p0 s6, s2  }
0xda: {  	s7 =	sshrl.u32 @!p0 s7, $0x3  }
0xdb: {  	s12 =	simm.s32 @!p0 $0x2000;
	s7 =	sadd.s32 @!p0 s0, s7  }
0xdc: {  	[tilespmem:s12], [sflag:$0x1] =	stream.linear.gather @!p0 [hbm4b:s7+s8], $0x2000, $0x38;
	[tilespmem:$0x14140] =	vst v63  }
0xdd: {  	s7 =	sor.u32 @!p0 s9, s2  }
0xde: {  	s7 =	sshrl.u32 @!p0 s7, $0x3  }
0xdf: {  	s12 =	simm.s32 @!p0 $0x4000;
	s7 =	sadd.s32 @!p0 s0, s7  }
0xe0: {  	[tilespmem:s12], [sflag:$0x1] =	stream.linear.gather @!p0 [hbm4b:s7+s8], $0x2000, $0x38;
	[tilespmem:$0x14140] =	vst v63  }
0xe1: {  	s7 =	sor.u32 @!p0 s10, s2  }
0xe2: {  	s2 =	sor.u32 @!p0 s11, s2;
	s7 =	sshrl.u32 @!p0 s7, $0x3  }
0xe3: {  	s12 =	simm.s32 @!p0 $0x6000;
	s2 =	sshrl.u32 @!p0 s2, $0x3;
	s7 =	sadd.s32 @!p0 s0, s7  }
0xe4: {  	[tilespmem:s12], [sflag:$0x1] =	stream.linear.gather @!p0 [hbm4b:s7+s8], $0x2000, $0x38;
	[tilespmem:$0x14140] =	vst v63  }
0xe5: {  	s2 =	sadd.s32 @!p0 s3, s2;
	s7 =	simm.s32 @!p0 $0x8000;
	s12 =	simm.s32 $0xA020  }
0xe6: {  	[tilespmem:s7], [sflag:$0x1] =	stream.linear.gather @!p0 [hbm4b:s2+s8], $0x2000, $0x38;
	[tilespmem:$0x14140] =	vst v63  }
0xe7: {  	s13 =	simm.s32 $0xC020;
	v13 =	vld [tilespmem:s12+$0x0]  }
0xe8: {  	s14 =	simm.s32 $0xE020;
	v14 =	vld [tilespmem:s13+$0x0]  }
0xe9: {  	s22 =	simm.s32 $0x10020;
	v24 =	vld [tilespmem:s14+$0x0]  }
0xea: {  	v25 =	vld [tilespmem:s22+$0x0]  }
0xeb: {  	v26 =	vld [tilespmem:s12+$0x10]  }
0xec: {  	v27 =	vld [tilespmem:s13+$0x10];
	v13 =	vmul.f32 $1.442695020e+00, v13  }
0xed: {  	v28 =	vld [tilespmem:s14+$0x10];
	v14 =	vmul.f32 $1.442695020e+00, v14  }
0xee: {  	v24 =	vmul.f32 $1.442695020e+00, v24;
	(erf) = vpow2.f32 v13;
	v13 =	vld [tilespmem:s22+$0x10]  }
0xef: {  	v25 =	vmul.f32 $1.442695020e+00, v25;
	(erf) = vpow2.f32 v14;
	v14 =	vld [tilespmem:s12+$0xFFFFFFF0]  }
0xf0: {  	v29 =	vld [tilespmem:s13+$0xFFFFFFF0];
	v26 =	vmul.f32 $1.442695020e+00, v26;
	(erf) = vpow2.f32 v24  }
0xf1: {  	v27 =	vmul.f32 $1.442695020e+00, v27;
	v24 =	vld [tilespmem:s14+$0xFFFFFFF0];
	(erf) = vpow2.f32 v25  }
0xf2: {  	v28 =	vmul.f32 $1.442695020e+00, v28;
	v25 =	vld [tilespmem:s22+$0xFFFFFFF0];
	(erf) = vpow2.f32 v26  }
0xf3: {  	v26 =	vld [tilespmem:s12+$0xFFFFFFE0];
	v13 =	vmul.f32 $1.442695020e+00, v13;
	(erf) = vpow2.f32 v27  }
0xf4: {  	v3 =	vadd.f32 v22, v3;
	v27 =	vld [tilespmem:s13+$0xFFFFFFE0];
	v14 =	vmul.f32 $1.442695020e+00, v14;
	(erf) = vpow2.f32 v28  }
0xf5: {  	v4 =	vadd.f32 v21, v4;
	v28 =	vmul.f32 $1.442695020e+00, v29;
	v29 =	vld [tilespmem:s14+$0xFFFFFFE0];
	(erf) = vpow2.f32 v13  }
0xf6: {  	v2 =	vadd.f32 v20, v2;
	v23 =	vadd.f32 v23, v5;
	(erf) = vpow2.f32 v14;
	v14 =	vld [tilespmem:s22+$0xFFFFFFE0]  }
0xf7: {  	v17 =	vadd.f32 v17, v3;
	v13 =	vmul.f32 $1.442695020e+00, v24;
	v25 =	vmul.f32 $1.442695020e+00, v25  }
0xf8: {  	v16 =	vadd.f32 v16, v23;
	v24 =	vpop (erf);
	(erf) = vpow2.f32 v28;
	v26 =	vmul.f32 $1.442695020e+00, v26  }
0xf9: {  	v4 =	vadd.f32 v18, v4;
	v28 =	vpop (erf);
	(erf) = vpow2.f32 v13;
	v22 =	vmul.f32 $1.442695020e+00, v27  }
0xfa: {  	v7 =	vadd.f32 v7, v16;
	s2 =	simm.s32 $0xE060;
	v5 =	vpop (erf);
	(erf) = vpow2.f32 v25;
	v21 =	vmul.f32 $1.442695020e+00, v29  }
0xfb: {  	v4 =	vadd.f32 v15, v4;
	s7 =	simm.s32 $0x10060;
	v15 =	vld [tilespmem:s2+$0x0];
	v13 =	vpop (erf);
	(erf) = vpow2.f32 v26;
	v14 =	vmul.f32 $1.442695020e+00, v14  }
0xfc: {  	v10 =	vadd.f32 v10, v17;
	v17 =	vadd.f32 v6, v7;
	v6 =	vld [tilespmem:s7+$0x0];
	s14 =	simm.s32 $0xA060;
	v20 =	vpop (erf);
	(erf) = vpow2.f32 v22  }
0xfd: {  	v2 =	vadd.f32 v19, v2;
	v19 =	vld [tilespmem:s14+$0x0];
	s22 =	simm.s32 $0xC060;
	v22 =	vpop (erf);
	(erf) = vpow2.f32 v21  }
0xfe: {  	v16 =	vld [tilespmem:s22+$0x0];
	v18 =	vpop (erf);
	(erf) = vpow2.f32 v14  }
0xff: {  	v48 =	vld [tilespmem:s7+$0x10];
	v14 =	vpop (erf)  }
0x100: {  	v2 =	vadd.f32 v12, v2;
	v57 =	vld [tilespmem:s2+$0xFFFFFFE0];
	v12 =	vpop (erf)  }
0x101: {  	v9 =	vadd.f32 v9, v10;
	v59 =	vld [tilespmem:s7+$0xFFFFFFE0];
	s13 =	simm.s32 $0x12020;
	v10 =	vpop (erf)  }
0x102: {  	v8 =	vadd.f32 v8, v4;
	v11 =	vadd.f32 v11, v2;
	v3 =	vld [tilespmem:s13+$0x0];
	v4 =	vmul.f32 $1.442695020e+00, v19;
	v30 =	vpop (erf)  }
0x103: {  	v2 =	vld [tilespmem:s13+$0x10];
	v7 =	vmul.f32 $1.442695020e+00, v16;
	v16 =	vadd.f32 v28, v24;
	v31 =	vadd.f32 v14, v18;
	v19 =	vpop (erf)  }
0x104: {  	v46 =	vld [tilespmem:s22+$0x10];
	v21 =	vadd.f32 v13, v5;
	v29 =	vadd.f32 v22, v20;
	v23 =	vpop (erf)  }
0x105: {  	v15 =	vmul.f32 $1.442695020e+00, v15;
	v6 =	vmul.f32 $1.442695020e+00, v6;
	v27 =	vld [tilespmem:s13+$0xFFFFFFF0];
	v45 =	vpop (erf)  }
0x106: {  	v25 =	vld [tilespmem:s13+$0xFFFFFFE0];
	v16 =	vadd.f32 v21, v16;
	v29 =	vadd.f32 v31, v29;
	(erf) = vpow2.f32 v4;
	v47 =	vpop (erf)  }
0x107: {  	v26 =	vld [tilespmem:s14+$0x10];
	v4 =	vadd.f32 v10, v12;
	(erf) = vpow2.f32 v7;
	v7 =	vadd.f32 v19, v30;
	v31 =	vpop (erf)  }
0x108: {  	v21 =	vld [tilespmem:s2+$0x10];
	v49 =	vadd.f32 v45, v23;
	(erf) = vrcp.f32 v16;
	v50 =	vadd.f32 v31, v47  }
0x109: {  	v35 =	vmul.f32 $1.442695020e+00, v48;
	v16 =	vld [tilespmem:s14+$0xFFFFFFF0];
	v4 =	vadd.f32 v7, v4;
	(erf) = vrcp.f32 v29  }
0x10a: {  	v63 =	vmul.f32 $1.442695020e+00, v57;
	v7 =	vld [tilespmem:s22+$0xFFFFFFF0];
	(erf) = vpow2.f32 v15;
	v15 =	vadd.f32 v50, v49  }
0x10b: {  	v34 =	vmul.f32 $1.442695020e+00, v59;
	v29 =	vld [tilespmem:s2+$0xFFFFFFF0];
	(erf) = vrcp.f32 v4  }
0x10c: {  	vm1 =	veq.s32 v3, $0x0;
	vm3 =	veq.s32 v2, $0x0;
	v4 =	vld [tilespmem:s7+$0xFFFFFFF0];
	(erf) = vrcp.f32 v15  }
0x10d: {  	vm6 =	veq.s32 v3, $0x1;
	v33 =	vmul.f32 $1.442695020e+00, v46;
	v26 =	vmul.f32 $1.442695020e+00, v26;
	v15 =	vld [tilespmem:s14+$0xFFFFFFE0]  }
0x10e: {  	vm5 =	veq.s32 v2, $0x1;
	v21 =	vmul.f32 $1.442695020e+00, v21;
	v16 =	vmul.f32 $1.442695020e+00, v16  }
0x10f: {  	vm9 =	veq.s32 v3, $0x2;
	v51 =	vmul.f32 $1.442695020e+00, v7;
	(erf) = vpow2.f32 v6;
	v6 =	vpop (erf)  }
0x110: {  	vm2 =	veq.s32 v27, $0x0;
	v52 =	vmul.f32 $1.442695020e+00, v29;
	(erf) = vpow2.f32 v26;
	v7 =	vpop (erf)  }
0x111: {  	vm4 =	veq.s32 v27, $0x1;
	v53 =	vmul.f32 $1.442695020e+00, v4;
	(erf) = vpow2.f32 v33;
	v54 =	vpop (erf)  }
0x112: {  	vm0 =	veq.s32 v25, $0x0;
	(erf) = vpow2.f32 v21;
	v55 =	vmul.f32 $1.442695020e+00, v15;
	v15 =	vpop (erf)  }
0x113: {  	vm7 =	veq.s32 v25, $0x1;
	v21 =	vmul.f32 v54, v24;
	v26 =	vmul.f32 v54, v28;
	v4 =	vpop (erf)  }
0x114: {  	vm11 =	veq.s32 v25, $0x2;
	(erf) = vpow2.f32 v35;
	v24 =	vmul.f32 v15, v22;
	v22 =	vpop (erf)  }
0x115: {  	(erf) = vpow2.f32 v16;
	v16 =	vshll.u32 v25, $0x4;
	v25 =	vmul.f32 v22, v12;
	v12 =	vpop (erf)  }
0x116: {  	vm10 =	veq.s32 v27, $0x2;
	v28 =	vmul.f32 v22, v10;
	v29 =	vmul.f32 v12, v23  }
0x117: {  	v10 =	vshll.u32 v27, $0x4;
	v32 =	vmul.f32 v12, v45;
	v27 =	vmul.f32 v12, v47  }
0x118: {  	v23 =	vor.u32 v0, v16;
	v31 =	vmul.f32 v12, v31;
	v16 =	vor.u32 v0, v10  }
0x119: {  	v10 =	vadd.f32 v29, v17;
	v17 =	vmul.f32 v22, v30;
	v8 =	vadd.f32 v27, v8  }
0x11a: {  	vm8 =	veq.s32 v2, $0x2;
	v56 =	vmul.f32 v54, v5;
	v9 =	vadd.f32 v32, v9  }
0x11b: {  	v11 =	vadd.f32 v31, v11;
	v22 =	vmul.f32 v22, v19;
	v5 =	vadd.f32 v17, v8  }
0x11c: {  	v35 =	vmul.f32 v54, v13;
	v20 =	vmul.f32 v15, v20;
	v30 =	vld [tilespmem:s22+$0xFFFFFFE0];
	v9 =	vadd.f32 v28, v9  }
0x11d: {  	v58 =	vmul.f32 v15, v18;
	v60 =	vmul.f32 v15, v14;
	v8 =	vadd.f32 v22, v11  }
0x11e: {  	v62 =	vsel vm11, v27, v31;
	v31 =	vsel vm9, v56, v35;
	v9 =	vadd.f32 v26, v9  }
0x11f: {  	v13 =	vadd.f32 v56, v5;
	v8 =	vadd.f32 v35, v8;
	v5 =	vpop (erf);
	(erf) = vpow2.f32 v51  }
0x120: {  	s8 =	simm.s32 $0x12060;
	v33 =	vsel vm7, v32, v62;
	v10 =	vadd.f32 v25, v10;
	v12 =	vpop (erf);
	(erf) = vpow2.f32 v52  }
0x121: {  	v18 =	vld [tilespmem:s8+$0xFFFFFFF0];
	v32 =	vsel vm8, v58, v60;
	v61 =	vmul.f32 $1.442695020e+00, v30;
	v15 =	vpop (erf);
	(erf) = vpow2.f32 v53  }
0x122: {  	v19 =	vld [tilespmem:s8+$0xFFFFFFE0];
	v10 =	vadd.f32 v21, v10;
	v11 =	vadd.f32 v24, v9;
	v9 =	vpop (erf);
	(erf) = vpow2.f32 v55  }
0x123: {  	v27 =	vld [tilespmem:s8+$0x0];
	v30 =	vsel vm10, v17, v22;
	v14 =	vadd.f32 v60, v8;
	v8 =	vpop (erf);
	(erf) = vpow2.f32 v61  }
0x124: {  	s12 =	simm.s32 $0x40;
	s13 =	simm.s32 $0xA0A0;
	v22 =	vld [tilespmem:s8+$0x10];
	v10 =	vadd.f32 v20, v10;
	v13 =	vadd.f32 v58, v13;
	v17 =	vpop (erf);
	(erf) = vpow2.f32 v63  }
.LBB2_5:
0x125: {  	v35 =	vld [tilespmem:s13+$0x0];
	s22 =	sadd.s32 $0x40, s22;
	(erf) = vpow2.f32 v34;
	v28 =	vsel vm4, v28, v30;
	v26 =	vsel vm6, v26, v31  }
0x126: {  	s2 =	sadd.s32 $0x40, s2;
	v29 =	vsel vm0, v29, v33;
	v24 =	vsel vm5, v24, v32;
	v30 =	vld [tilespmem:s22+$0x0];
	v25 =	vsel vm2, v25, v28  }
0x127: {  	v21 =	vsel vm1, v21, v26;
	v20 =	vsel vm3, v20, v24;
	v28 =	vld [tilespmem:s2+$0x0]  }
0x128: {  	vm0 =	veq.s32 v19, $0x0;
	vm2 =	veq.s32 v18, $0x0;
	v31 =	vpop (erf);
	[tilespmem:v23+s30+$0x0] =	vst.idx.add.f32.msk $0xffff, v29  }
0x129: {  	v3 =	vshll.u32 v3, $0x4;
	vm1 =	veq.s32 v27, $0x0;
	vm3 =	veq.s32 v22, $0x0;
	v32 =	vpop (erf);
	[tilespmem:v23+s31+$0x0] =	vst.idx.add.f32.msk $0xffff, v1  }
0x12a: {  	s7 =	sadd.s32 $0x40, s7;
	vm7 =	veq.s32 v19, $0x1;
	v24 =	vor.u32 v0, v3;
	v23 =	vmul.f32 $1.442695020e+00, v35;
	v33 =	vpop (erf);
	[tilespmem:v16+s30+$0x0] =	vst.idx.add.f32.msk $0xffff, v25  }
0x12b: {  	v26 =	vadd.f32 v7, v6;
	v29 =	vadd.f32 v5, v4;
	v25 =	vld [tilespmem:s7+$0x0];
	v3 =	vmul.f32 $1.442695020e+00, v30;
	v30 =	vpop (erf)  }
0x12c: {  	v41 =	vadd.f32 v8, v9;
	v35 =	vadd.f32 v15, v12;
	v28 =	vmul.f32 $1.442695020e+00, v28;
	v34 =	vld [tilespmem:s13+$0x10];
	v37 =	vpop (erf)  }
0x12d: {  	v26 =	vadd.f32 v29, v26;
	v38 =	vld [tilespmem:s22+$0x10];
	(erf) = vpow2.f32 v23;
	v23 =	vadd.f32 v31, v17;
	v39 =	vpop (erf)  }
0x12e: {  	v40 =	vadd.f32 v33, v32;
	v35 =	vadd.f32 v41, v35;
	v29 =	vld [tilespmem:s2+$0x10];
	(erf) = vpow2.f32 v3;
	v36 =	vpop (erf)  }
0x12f: {  	v42 =	vadd.f32 v37, v30;
	v41 =	vld [tilespmem:s7+$0x10];
	v43 =	vadd.f32 v36, v39;
	(erf) = vrcp.f32 v26;
	v3 =	vmovc v27  }
0x130: {  	v23 =	vadd.f32 v40, v23;
	v26 =	vld [tilespmem:s13+$0xFFFFFFF0];
	v25 =	vmul.f32 $1.442695020e+00, v25;
	(erf) = vrcp.f32 v35  }
0x131: {  	v27 =	vld [tilespmem:s22+$0xFFFFFFF0];
	v34 =	vmul.f32 $1.442695020e+00, v34;
	(erf) = vpow2.f32 v28;
	v28 =	vadd.f32 v43, v42  }
0x132: {  	v35 =	vld [tilespmem:s2+$0xFFFFFFF0];
	v38 =	vmul.f32 $1.442695020e+00, v38;
	(erf) = vrcp.f32 v23;
	v23 =	vshll.u32 v2, $0x4;
	v2 =	vmovc v22  }
0x133: {  	v22 =	vld [tilespmem:s7+$0xFFFFFFF0];
	v29 =	vmul.f32 $1.442695020e+00, v29;
	(erf) = vrcp.f32 v28;
	v23 =	vor.u32 v0, v23  }
0x134: {  	vm4 =	veq.s32 v18, $0x1;
	v28 =	vld [tilespmem:s13+$0xFFFFFFE0];
	v40 =	vmul.f32 $1.442695020e+00, v41;
	(erf) = vpow2.f32 v25  }
0x135: {  	vm6 =	veq.s32 v3, $0x1;
	v25 =	vmul.f32 $1.442695020e+00, v26;
	(erf) = vpow2.f32 v34;
	[tilespmem:v16+s31+$0x0] =	vst.idx.add.f32.msk $0xffff, v1  }
0x136: {  	vm5 =	veq.s32 v2, $0x1;
	v27 =	vmul.f32 $1.442695020e+00, v27;
	v34 =	vpop (erf);
	(erf) = vpow2.f32 v38;
	[tilespmem:v24+s30+$0x0] =	vst.idx.add.f32.msk $0xffff, v21  }
0x137: {  	vm8 =	veq.s32 v19, $0x2;
	v35 =	vmul.f32 $1.442695020e+00, v35;
	v38 =	vpop (erf);
	(erf) = vpow2.f32 v29;
	[tilespmem:v24+s31+$0x0] =	vst.idx.add.f32.msk $0xffff, v1  }
0x138: {  	vm9 =	veq.s32 v18, $0x2;
	v22 =	vmul.f32 $1.442695020e+00, v22;
	(erf) = vpow2.f32 v40;
	v40 =	vpop (erf);
	[tilespmem:v23+s30+$0x0] =	vst.idx.add.f32.msk $0xffff, v20  }
0x139: {  	vm10 =	veq.s32 v3, $0x2;
	v41 =	vmul.f32 $1.442695020e+00, v28;
	(erf) = vpow2.f32 v25;
	v42 =	vpop (erf);
	[tilespmem:v23+s31+$0x0] =	vst.idx.add.f32.msk $0xffff, v1  }
0x13a: {  	vm11 =	veq.s32 v2, $0x2;
	v21 =	vmul.f32 v40, v6;
	v43 =	vpop (erf);
	v20 =	vmul.f32 v42, v12  }
0x13b: {  	v6 =	vshll.u32 v19, $0x4;
	v26 =	vmul.f32 v40, v7;
	v24 =	vmul.f32 v42, v15;
	v7 =	vpop (erf)  }
0x13c: {  	v15 =	vshll.u32 v18, $0x4;
	v25 =	vmul.f32 v7, v17;
	v28 =	vmul.f32 v7, v31;
	v16 =	vpop (erf)  }
0x13d: {  	v23 =	vor.u32 v0, v6;
	v18 =	vpop (erf);
	v29 =	vmul.f32 v16, v30;
	v37 =	vmul.f32 v16, v37  }
0x13e: {  	v30 =	vmul.f32 v16, v39;
	v31 =	vmul.f32 v16, v36;
	v16 =	vor.u32 v0, v15;
	v12 =	vpop (erf)  }
0x13f: {  	v32 =	vmul.f32 v7, v32;
	v15 =	vpop (erf);
	v6 =	vadd.f32 v29, v10;
	v10 =	vadd.f32 v37, v11  }
0x140: {  	v33 =	vmul.f32 v7, v33;
	v11 =	vadd.f32 v30, v13;
	v13 =	vadd.f32 v31, v14;
	v19 =	vpop (erf)  }
0x141: {  	v39 =	vmul.f32 v40, v4;
	v36 =	vpop (erf);
	v14 =	vadd.f32 v25, v6;
	v47 =	vadd.f32 v28, v10  }
0x142: {  	v40 =	vmul.f32 v40, v5;
	v48 =	vadd.f32 v32, v11;
	v10 =	vadd.f32 v33, v13;
	v44 =	vld [tilespmem:s22+$0xFFFFFFE0];
	v17 =	vpop (erf)  }
0x143: {  	v46 =	vmul.f32 v42, v9;
	v45 =	vld [tilespmem:s2+$0xFFFFFFE0];
	v13 =	vadd.f32 v21, v14;
	v11 =	vadd.f32 v26, v47;
	v6 =	vmovc v34  }
0x144: {  	s12 =	sadd.s32 $0x40, s12;
	v42 =	vmul.f32 v42, v8;
	v7 =	vmovc v38;
	v47 =	vadd.f32 v39, v48;
	v14 =	vadd.f32 v40, v10;
	v34 =	vld [tilespmem:s7+$0xFFFFFFE0]  }
0x145: {  	p0 =	slt.u32 s12, $0x1FC0;
	v4 =	vmovc v43;
	v5 =	vmovc v18;
	(erf) = vpow2.f32 v27;
	v10 =	vadd.f32 v20, v13;
	v11 =	vadd.f32 v24, v11  }
.Ltmp1:
0x146: {  	s8 =	sadd.s32 $0x40, s8;
	v9 =	vmovc v19;
	v8 =	vmovc v36;
	v13 =	vadd.f32 v46, v47;
	v14 =	vadd.f32 v42, v14;
	(erf) = vpow2.f32 v35;
	(pc) =	sbr.rel @p0 .LBB2_5-.Ltmp1, $4  }
0x147: {  	v36 =	vsel vm8, v30, v31;
	v19 =	vld [tilespmem:s8+$0xFFFFFFE0];
	v35 =	vmul.f32 $1.442695020e+00, v44;
	(erf) = vpow2.f32 v22  }
0x148: {  	v30 =	vsel vm9, v32, v33;
	v38 =	vmul.f32 $1.442695020e+00, v45;
	v18 =	vld [tilespmem:s8+$0xFFFFFFF0];
	(erf) = vpow2.f32 v41  }
0x149: {  	v31 =	vsel vm10, v39, v40;
	v34 =	vmul.f32 $1.442695020e+00, v34;
	v27 =	vld [tilespmem:s8+$0x0];
	(erf) = vpow2.f32 v35  }
0x14a: {  	s13 =	sadd.s32 $0x40, s13;
	v32 =	vsel vm11, v46, v42;
	v33 =	vsel vm7, v37, v36;
	v22 =	vld [tilespmem:s8+$0x10];
	(erf) = vpow2.f32 v38  }
0x14b: {  	(erf) = vpow2.f32 v34;
	_ =	sdelay $0x2  }
0x14c: {  	v60 =	vpop (erf)  }
0x14d: {  	v37 =	vadd.f32 v7, v6;
	v38 =	vadd.f32 v5, v4;
	v35 =	vpop (erf)  }
0x14e: {  	v40 =	vadd.f32 v15, v12;
	v41 =	vadd.f32 v8, v9;
	v36 =	vpop (erf)  }
0x14f: {  	v37 =	vadd.f32 v38, v37;
	v39 =	vpop (erf)  }
0x150: {  	v40 =	vadd.f32 v41, v40;
	v42 =	vpop (erf)  }
0x151: {  	v43 =	vadd.f32 v60, v17;
	(erf) = vrcp.f32 v37;
	v44 =	vadd.f32 v36, v35;
	v61 =	vpop (erf)  }
0x152: {  	v45 =	vadd.f32 v42, v39;
	v62 =	vpop (erf)  }
0x153: {  	(erf) = vrcp.f32 v40;
	v43 =	vadd.f32 v44, v43;
	v63 =	vadd.f32 v62, v61;
	_ =	sdelay $0x1  }
0x154: {  	v28 =	vsel vm4, v28, v30;
	(erf) = vrcp.f32 v43;
	v37 =	vadd.f32 v63, v45  }
0x155: {  	v26 =	vsel vm6, v26, v31;
	v3 =	vshll.u32 v3, $0x4;
	v29 =	vsel vm0, v29, v33  }
0x156: {  	v2 =	vshll.u32 v2, $0x4;
	v3 =	vor.u32 v0, v3;
	(erf) = vrcp.f32 v37  }
0x157: {  	v24 =	vsel vm5, v24, v32;
	v25 =	vsel vm2, v25, v28;
	v2 =	vor.u32 v0, v2  }
0x158: {  	v21 =	vsel vm1, v21, v26;
	v20 =	vsel vm3, v20, v24;
	vm13 =	veq.s32 v19, $0x0  }
0x159: {  	[tilespmem:v23+s30+$0x0] =	vst.idx.add.f32.msk $0xffff, v29;
	vm14 =	veq.s32 v18, $0x0;
	vm9 =	veq.s32 v18, $0x1;
	v52 =	vshll.u32 v18, $0x4;
	v45 =	vpop (erf)  }
0x15a: {  	[tilespmem:v16+s30+$0x0] =	vst.idx.add.f32.msk $0xffff, v25;
	vm10 =	veq.s32 v18, $0x2;
	v18 =	vor.u32 v0, v52;
	v6 =	vmul.f32 v45, v6  }
0x15b: {  	vm15 =	veq.s32 v19, $0x1;
	[tilespmem:v3+s30+$0x0] =	vst.idx.add.f32.msk $0xffff, v21;
	v46 =	vpop (erf);
	v7 =	vmul.f32 v45, v7;
	v4 =	vmul.f32 v45, v4  }
0x15c: {  	vm7 =	veq.s32 v19, $0x2;
	[tilespmem:v2+s30+$0x0] =	vst.idx.add.f32.msk $0xffff, v20;
	v5 =	vmul.f32 v45, v5;
	v47 =	vmul.f32 v46, v12  }
0x15d: {  	vm11 =	veq.s32 v27, $0x2;
	[tilespmem:v3+s31+$0x0] =	vst.idx.add.f32.msk $0xffff, v1;
	v48 =	vmul.f32 v46, v15;
	v58 =	vmul.f32 v46, v9;
	v49 =	vpop (erf)  }
0x15e: {  	v3 =	vshll.u32 v19, $0x4;
	[tilespmem:v2+s31+$0x0] =	vst.idx.add.f32.msk $0xffff, v1;
	v2 =	vmul.f32 v46, v8;
	v50 =	vmul.f32 v49, v17  }
0x15f: {  	v3 =	vor.u32 v0, v3;
	v51 =	vmul.f32 v49, v60;
	v57 =	vmul.f32 v49, v35;
	v53 =	vpop (erf)  }
0x160: {  	[tilespmem:v16+s31+$0x0] =	vst.idx.add.f32.msk $0xffff, v1;
	v19 =	vmul.f32 v49, v36;
	v60 =	vshll.u32 v27, $0x4;
	v54 =	vmul.f32 v53, v39  }
0x161: {  	v16 =	vor.u32 v0, v60;
	v55 =	vmul.f32 v53, v42;
	v56 =	vmul.f32 v53, v61  }
0x162: {  	v21 =	vmul.f32 v53, v62;
	v61 =	vsel vm11, v4, v5;
	v10 =	vadd.f32 v54, v10  }
0x163: {  	[tilespmem:v23+s31+$0x0] =	vst.idx.add.f32.msk $0xffff, v1;
	v62 =	vshll.u32 v22, $0x4;
	v11 =	vadd.f32 v55, v11;
	v13 =	vadd.f32 v56, v13  }
0x164: {  	v14 =	vadd.f32 v21, v14;
	v21 =	vsel vm7, v56, v21;
	v10 =	vadd.f32 v50, v10  }
0x165: {  	v59 =	vsel vm15, v55, v21;
	v11 =	vadd.f32 v51, v11;
	v13 =	vadd.f32 v57, v13  }
0x166: {  	v14 =	vadd.f32 v19, v14;
	v19 =	vsel vm10, v57, v19;
	v8 =	vsel vm13, v54, v59  }
0x167: {  	vm13 =	veq.s32 v22, $0x2;
	v19 =	vsel vm9, v51, v19;
	[tilespmem:v3+s30+$0x0] =	vst.idx.add.f32.msk $0xffff, v8;
	v8 =	vor.u32 v0, v62  }
0x168: {  	s21 =	sadd.s32 $0x1, s21;
	vm12 =	veq.s32 v27, $0x1;
	v63 =	vsel vm13, v58, v2;
	v17 =	vsel vm14, v50, v19;
	[tilespmem:v3+s31+$0x0] =	vst.idx.add.f32.msk $0xffff, v1  }
0x169: {  	p0 =	sne.s32 s21, $0x4;
	vm0 =	veq.s32 v27, $0x0;
	v3 =	vadd.f32 v7, v11;
	v7 =	vsel vm12, v7, v61;
	[tilespmem:v18+s30+$0x0] =	vst.idx.add.f32.msk $0xffff, v17  }
.Ltmp2:
0x16a: {  	v10 =	vadd.f32 v6, v10;
	vm14 =	veq.s32 v22, $0x1;
	v6 =	vsel vm0, v6, v7;
	[tilespmem:v18+s31+$0x0] =	vst.idx.add.f32.msk $0xffff, v1;
	(pc) =	sbr.rel @p0 .LBB2_2-.Ltmp2, $4  }
0x16b: {  	vm15 =	veq.s32 v22, $0x0;
	v7 =	vadd.f32 v4, v13;
	v4 =	vsel vm14, v48, v63;
	[tilespmem:v16+s30+$0x0] =	vst.idx.add.f32.msk $0xffff, v6  }
0x16c: {  	v6 =	vadd.f32 v5, v14;
	v11 =	vsel vm15, v47, v4;
	[tilespmem:v16+s31+$0x0] =	vst.idx.add.f32.msk $0xffff, v1  }
0x16d: {  	v5 =	vadd.f32 v47, v10;
	v4 =	vadd.f32 v48, v3;
	[tilespmem:v8+s30+$0x0] =	vst.idx.add.f32.msk $0xffff, v11  }
0x16e: {  	v3 =	vadd.f32 v58, v7;
	v2 =	vadd.f32 v2, v6;
	[tilespmem:v8+s31+$0x0] =	vst.idx.add.f32.msk $0xffff, v1  }
0x16f: {  	v6 =	vld [tilespmem:$0x14000]  }
0x170: {  	v7 =	vld [tilespmem:$0x14040];
	[tilespmem:$0x14080] =	vst v5  }
0x171: {  	v8 =	vld [tilespmem:$0x14010];
	[tilespmem:$0x14090] =	vst v4  }
0x172: {  	v60 =	vld [tilespmem:$0x14050];
	[tilespmem:$0x140A0] =	vst v3  }
0x173: {  	v61 =	vld [tilespmem:$0x14020];
	[tilespmem:$0x140B0] =	vst v2  }
0x174: {  	v62 =	vld [tilespmem:$0x14060];
	[tilespmem:$0x140C0] =	vst v6  }
0x175: {  	v63 =	vld [tilespmem:$0x14030];
	[tilespmem:$0x14100] =	vst v7  }
0x176: {  	v3 =	vld [tilespmem:$0x14070];
	[tilespmem:$0x140D0] =	vst v8  }
0x177: {  	[tilespmem:$0x14110] =	vst v60  }
0x178: {  	[tilespmem:$0x140E0] =	vst v61  }
0x179: {  	s20 =	sadd.s32 $0x1, s20;
	[tilespmem:$0x14120] =	vst v62  }
0x17a: {  	p0 =	sne.s32 s20, s17;
	[tilespmem:$0x140F0] =	vst v63  }
.Ltmp3:
0x17b: {  	s2 =	simm.s32 $0x14080;
	[tilespmem:$0x14130] =	vst v3;
	(pc) =	sbr.rel @p0 .LBB2_1-.Ltmp3, $4  }
0x17c: {  	[hbm4b:s16+s4] =	stream.linear.scatter [tilespmem:s2], [sflag:$0x3], $0xC0, $0x38;
	[tilespmem:$0x14140] =	vst v63  }
0x17d: {  	_ =	swait.ge [sflag:s19], $0xC0  }
0x17e: {  	[sflag:s19] =	ssyncset.done $0x0  }
0x17f: {  	[sflag:s19] =	ssyncadd.s32 $0xFFFFFF40  }
0x180: {  	_ =	sfence.sel $0x180000  }
0x181: {  	[bflag:$0x0] =	sbarrier.arrive $0xFFFF  }
0x182: {  	_ =	strace $0x90000047  }
0x183: {  	s0 =	stileid.u32;
	[bflag:$0x2] =	sbarrier.arrive $0xFFFF  }
0x184: {  	p0 =	sne.s32 s0, $0x0;
	s0 =	rddreg [dreg:$0x3]  }
0x185: {  	s0 =	sadd.s32 @!p0 $0x100000, s0  }
0x186: {  	[sflag:s0] =	ssyncadd.tile.s32 @!p0 $0x1;
	_ =	shalt  }
.Lfunc_end2:
_tile_overlayer_lowered:
.L_overlay_start_2:
0x187: {  	(tag) =	ssettag $0x2  }
0x188: {  	s0 =	rddreg [dreg:$0x0];
	s2 =	stileid.u32  }
0x189: {  	s1 =	rddreg [dreg:$0x1];
	p0 =	sne.s32 s2, $0x0  }
0x18a: {  	s3 =	rddreg [dreg:$0x2];
	[bflag:$0x3] =	sbarrier.arrive $0xFFFF;
	s2 =	simm.s32 @!p0 $0x1C03  }
0x18b: {  	[timem:s3], [sflag:s2] =	dma.local @!p0 [hbm:s0], s1  }
0x18c: {  	s0 =	simm.s32 @!p0 $0x3  }
0x18d: {  	_ =	swait.ge @!p0 [sflag:s0], s1  }
0x18e: {  	s1 =	ssub.s32 @!p0 $0x0, s1;
	[sflag:s0] =	ssyncset.done @!p0 $0x0  }
0x18f: {  	[sflag:s0] =	ssyncadd.s32 @!p0 s1  }
0x190: {  	[bflag:$0x3] =	sbarrier.arrive $0xFFFF  }
0x191: {  	_ =	shalt  }

</sc_bundles>
